<compile_context>
chip_gen: v7x
topology: tpu7x:2x2x1
jax: 0.10.2.dev20260603
libtpu: 0.0.44.dev20260713+nightly
codegen_flags: <defaults>
</compile_context>

<pallas_src>
import functools

import jax
import jax.numpy as jnp
from jax import lax
from jax.experimental import pallas as pl
from jax.experimental.pallas import tpu as pltpu
from jax.experimental.pallas import tpu_sc as plsc

_B, _L = 16384, 200
_NC, _NS = 2, 16
_NW = _NC * _NS
_SC_ROWS = 8192
_TC_ROWS = _B - _SC_ROWS
_CHUNK_R = 64
_TBL_PAD = 40
_LANES = 16
_COL_OFFS = tuple(range(0, 192, 16)) + (184,)
_TC_BLOCK_R = 2048

_mesh = plsc.VectorSubcoreMesh(core_axis_name="c", subcore_axis_name="s")
_ROWS_W = _SC_ROWS // _NW
_NCHUNKS = _ROWS_W // _CHUNK_R


@functools.partial(
    pl.kernel,
    mesh=_mesh,
    out_type=jax.ShapeDtypeStruct((_SC_ROWS, _L), jnp.float32),
    scratch_types=[
        pltpu.VMEM((_TBL_PAD,), jnp.float32),
        pltpu.VMEM((2, _CHUNK_R, _L), jnp.int32),
        pltpu.VMEM((2, _CHUNK_R, _L), jnp.float32),
        pltpu.SemaphoreType.DMA,
        pltpu.SemaphoreType.DMA,
        pltpu.SemaphoreType.DMA,
        pltpu.SemaphoreType.DMA,
    ],
    compiler_params=pltpu.CompilerParams(
        needs_layout_passes=False, use_tc_tiling_on_sc=True),
)
def _sc_gather(idx_hbm, tbl_hbm, out_hbm, tbl_v, idx_v, out_v,
               sin0, sin1, sout0, sout1):
    wid = lax.axis_index("s") * _NC + lax.axis_index("c")
    base = wid * _ROWS_W
    sins = (sin0, sin1)
    souts = (sout0, sout1)
    pltpu.sync_copy(tbl_hbm, tbl_v)

    def start_in(ci):
        off = base + ci * _CHUNK_R
        return pltpu.async_copy(idx_hbm.at[pl.ds(off, _CHUNK_R), :],
                                idx_v.at[ci % 2], sins[ci % 2])

    in_handles = [None, None]
    out_handles = [None, None]
    in_handles[0] = start_in(0)

    for ci in range(_NCHUNKS):
        slot = ci % 2
        in_handles[slot].wait()
        if ci + 1 < _NCHUNKS:
            in_handles[(ci + 1) % 2] = start_in(ci + 1)
        if out_handles[slot] is not None:
            out_handles[slot].wait()

        def row_body(r, c, slot=slot):
            for co in _COL_OFFS:
                ids = idx_v[slot, r, pl.ds(co, _LANES)]
                ids = jnp.minimum(jnp.maximum(ids, 0), 34)
                out_v[slot, r, pl.ds(co, _LANES)] = plsc.load_gather(
                    tbl_v, [ids])
            return c

        lax.fori_loop(0, _CHUNK_R, row_body, 0)
        out_handles[slot] = pltpu.async_copy(
            out_v.at[slot],
            out_hbm.at[pl.ds(base + ci * _CHUNK_R, _CHUNK_R), :], souts[slot])

    for h in out_handles:
        if h is not None:
            h.wait()


def _tc_body(idx_ref, tbl_ref, out_ref):
    idx = jnp.minimum(jnp.maximum(idx_ref[...], 0), 34)
    src = jnp.broadcast_to(tbl_ref[...], (_TC_BLOCK_R, 128))
    out_ref[...] = jnp.take_along_axis(src, idx, axis=1,
                                       mode="promise_in_bounds")


_tc_gather = pl.pallas_call(
    _tc_body,
    grid=(_TC_ROWS // _TC_BLOCK_R,),
    in_specs=[
        pl.BlockSpec((_TC_BLOCK_R, _L),
                     lambda i: (i + _SC_ROWS // _TC_BLOCK_R, 0)),
        pl.BlockSpec((1, 128), lambda i: (0, 0)),
    ],
    out_specs=pl.BlockSpec((_TC_BLOCK_R, _L), lambda i: (i, 0)),
    out_shape=jax.ShapeDtypeStruct((_TC_ROWS, _L), jnp.float32),
)


def kernel(discrete_f0, table):
    centers = table.reshape(-1).astype(jnp.float32)
    tbl_sc = jnp.pad(centers, (0, _TBL_PAD - centers.shape[0]))
    tbl_tc = jnp.take(centers, jnp.minimum(jnp.arange(128), 34))[None, :]
    sc_in = lax.slice(discrete_f0, (0, 0), (_SC_ROWS, _L))
    sc_out = _sc_gather(sc_in, tbl_sc)
    tc_out = _tc_gather(discrete_f0, tbl_tc)
    return jnp.concatenate([sc_out, tc_out], axis=0)

# --- scband reference (transcript-rebuilt; emitter-appended) ---
"""Pipeline reference for scband-naive-f0-decoder-44796508897547 (READ-ONLY COPY).

The authoritative reference and input builder live on the scoring server;
editing this copy changes nothing except your own understanding.
"""

import jax, jax.numpy as jnp
import numpy as np

N_UNITS = 35  # n_units=32 -> centers length = 32 + 1 + 2 = 35 (max_n)

def setup_inputs(seed: int = 0) -> dict:
    key = jax.random.key(seed)
    k1, k2 = jax.random.split(key)
    # simulate the loaded quantization bounds: sorted f0 bin edges (n_units=32)
    bounds = jnp.sort(jax.random.uniform(k1, (32,), dtype=jnp.float32) * 300.0 + 50.0)
    pad = jnp.array([-5.0, -5.0], dtype=jnp.float32)
    centers = jnp.concatenate([bounds[0:1], 0.5 * (bounds[1:] + bounds[:-1]), bounds[-1:], pad])
    table = centers[:, None]  # Embedding.from_pretrained(centers.unsqueeze(-1)) -> [35, 1]
    discrete_f0 = jax.random.randint(k2, (16384, 200), 0, N_UNITS, dtype=jnp.int64)
    return {"discrete_f0": discrete_f0, "table": table}

def reference(discrete_f0, table):
    max_n = table.shape[0]
    # bounds handling: values >= max_n are clamped to max_n - 1 (warning path in torch)
    idx = jnp.where(discrete_f0 >= max_n, max_n - 1, discrete_f0)
    idx = jnp.maximum(idx, 0)
    out = jnp.take(table, idx, axis=0)  # [B, L, 1]
    return jnp.squeeze(out, axis=-1)    # [B, L]

if __name__ == "__main__":
    import jax
    _d = setup_inputs()
    print(jax.jit(kernel)(*tuple(_d.values())))

</pallas_src>

<mosaic_0001>
#map = affine_map<(d0, d1) -> (0, 0)>
#map1 = affine_map<(d0, d1) -> (0)>
module attributes {stable_mosaic.version = 14 : i64} {
  func.func @_sc_gather(%arg0: i32, %arg1: i32, %arg2: memref<8192x200xi32, #tpu.memory_space<hbm>>, %arg3: memref<40xf32, #tpu.memory_space<hbm>>, %arg4: memref<8192x200xf32, #tpu.memory_space<hbm>>, %arg5: memref<40xf32, #tpu.memory_space<vmem>>, %arg6: memref<2x64x200xi32, #tpu.memory_space<vmem>>, %arg7: memref<2x64x200xf32, #tpu.memory_space<vmem>>, %arg8: memref<!tpu.dma_semaphore, #tpu.memory_space<semaphore_mem>>, %arg9: memref<!tpu.dma_semaphore, #tpu.memory_space<semaphore_mem>>, %arg10: memref<!tpu.dma_semaphore, #tpu.memory_space<semaphore_mem>>, %arg11: memref<!tpu.dma_semaphore, #tpu.memory_space<semaphore_mem>>) attributes {dimension_semantics = [#tpu.dimension_semantics<core_parallel>, #tpu.dimension_semantics<subcore_parallel>], iteration_bounds = array<i64: 2, 16>, scalar_prefetch = 0 : i64, scratch_operands = 7 : i64, tpu.core_type = #tpu.core_type<sc_vector_subcore>, window_params = [{transform_indices = #map}, {transform_indices = #map1}, {transform_indices = #map}]} {
    %mul3A = arith.constant 2 : i32
    %mul3A_0 = arith.muli %arg1, %mul3A : i32
    %add3A = arith.addi %mul3A_0, %arg0 : i32
    %mul3A_1 = arith.constant 256 : i32
    %mul3A_2 = arith.muli %add3A, %mul3A_1 : i32
    "tpu.region"() ({
      %run_scoped3A = tpu.sem_alloc : memref<!tpu.dma_semaphore, #tpu.memory_space<semaphore_mem>>
      tpu.enqueue_dma source(%arg3 : memref<40xf32, #tpu.memory_space<hbm>>) target(%arg5 : memref<40xf32, #tpu.memory_space<vmem>>) target_semaphore(%run_scoped3A : memref<!tpu.dma_semaphore, #tpu.memory_space<semaphore_mem>>)
      tpu.wait_dma2 semaphore(%run_scoped3A : memref<!tpu.dma_semaphore, #tpu.memory_space<semaphore_mem>>) src(%arg3 : memref<40xf32, #tpu.memory_space<hbm>>) dst(%arg5 : memref<40xf32, #tpu.memory_space<vmem>>)
      tpu.yield
    }) : () -> ()
    %add3A_3 = arith.constant 0 : i32
    %add3A_4 = arith.addi %mul3A_2, %add3A_3 : i32
    %dma_start3A = arith.constant 0 : i32
    %dma_start3A_5 = arith.constant 0 : i32
    %dma_start3A_6 = arith.constant 0 : i32
    %dma_start3A_7 = tpu.memref_slice %arg6[%dma_start3A, %dma_start3A_5, %dma_start3A_6] : memref<2x64x200xi32, #tpu.memory_space<vmem>> -> memref<1x64x200xi32, #tpu.memory_space<vmem>>
    %dma_start3A_8 = tpu.memref_squeeze %dma_start3A_7 : memref<1x64x200xi32, #tpu.memory_space<vmem>> -> memref<64x200xi32, #tpu.memory_space<vmem>>
    %dma_start3A_9 = arith.constant 0 : i32
    %dma_start3A_10 = tpu.memref_slice %arg2[%add3A_4, %dma_start3A_9] : memref<8192x200xi32, #tpu.memory_space<hbm>> -> memref<64x200xi32, #tpu.memory_space<hbm>>
    %dma_start3A_11 = arith.constant 0 : i32
    %dma_start3A_12 = arith.constant 0 : i32
    %dma_start3A_13 = tpu.memref_slice %arg6[%dma_start3A, %dma_start3A_11, %dma_start3A_12] : memref<2x64x200xi32, #tpu.memory_space<vmem>> -> memref<1x64x200xi32, #tpu.memory_space<vmem>>
    %dma_start3A_14 = tpu.memref_squeeze %dma_start3A_13 : memref<1x64x200xi32, #tpu.memory_space<vmem>> -> memref<64x200xi32, #tpu.memory_space<vmem>>
    %dma_start3A_15 = arith.constant 0 : i32
    %dma_start3A_16 = tpu.memref_slice %arg2[%add3A_4, %dma_start3A_15] : memref<8192x200xi32, #tpu.memory_space<hbm>> -> memref<64x200xi32, #tpu.memory_space<hbm>>
    tpu.enqueue_dma source(%dma_start3A_16 : memref<64x200xi32, #tpu.memory_space<hbm>>) target(%dma_start3A_14 : memref<64x200xi32, #tpu.memory_space<vmem>>) target_semaphore(%arg8 : memref<!tpu.dma_semaphore, #tpu.memory_space<semaphore_mem>>)
    %dma_wait3A = arith.constant 0 : i32
    %dma_wait3A_17 = arith.constant 0 : i32
    %dma_wait3A_18 = arith.constant 0 : i32
    %dma_wait3A_19 = tpu.memref_slice %arg6[%dma_wait3A, %dma_wait3A_17, %dma_wait3A_18] : memref<2x64x200xi32, #tpu.memory_space<vmem>> -> memref<1x64x200xi32, #tpu.memory_space<vmem>>
    %dma_wait3A_20 = tpu.memref_squeeze %dma_wait3A_19 : memref<1x64x200xi32, #tpu.memory_space<vmem>> -> memref<64x200xi32, #tpu.memory_space<vmem>>
    %dma_wait3A_21 = arith.constant 0 : i32
    %dma_wait3A_22 = tpu.memref_slice %arg2[%add3A_4, %dma_wait3A_21] : memref<8192x200xi32, #tpu.memory_space<hbm>> -> memref<64x200xi32, #tpu.memory_space<hbm>>
    %dma_wait3A_23 = arith.constant 0 : i32
    %dma_wait3A_24 = arith.constant 0 : i32
    %dma_wait3A_25 = tpu.memref_slice %arg6[%dma_wait3A, %dma_wait3A_23, %dma_wait3A_24] : memref<2x64x200xi32, #tpu.memory_space<vmem>> -> memref<1x64x200xi32, #tpu.memory_space<vmem>>
    %dma_wait3A_26 = tpu.memref_squeeze %dma_wait3A_25 : memref<1x64x200xi32, #tpu.memory_space<vmem>> -> memref<64x200xi32, #tpu.memory_space<vmem>>
    %dma_wait3A_27 = arith.constant 0 : i32
    %dma_wait3A_28 = tpu.memref_slice %arg2[%add3A_4, %dma_wait3A_27] : memref<8192x200xi32, #tpu.memory_space<hbm>> -> memref<64x200xi32, #tpu.memory_space<hbm>>
    tpu.wait_dma2 semaphore(%arg8 : memref<!tpu.dma_semaphore, #tpu.memory_space<semaphore_mem>>) src(%dma_wait3A_28 : memref<64x200xi32, #tpu.memory_space<hbm>>) dst(%dma_wait3A_26 : memref<64x200xi32, #tpu.memory_space<vmem>>)
    %add3A_29 = arith.constant 64 : i32
    %add3A_30 = arith.addi %mul3A_2, %add3A_29 : i32
    %dma_start3A_31 = arith.constant 1 : i32
    %dma_start3A_32 = arith.constant 0 : i32
    %dma_start3A_33 = arith.constant 0 : i32
    %dma_start3A_34 = tpu.memref_slice %arg6[%dma_start3A_31, %dma_start3A_32, %dma_start3A_33] : memref<2x64x200xi32, #tpu.memory_space<vmem>> -> memref<1x64x200xi32, #tpu.memory_space<vmem>>
    %dma_start3A_35 = tpu.memref_squeeze %dma_start3A_34 : memref<1x64x200xi32, #tpu.memory_space<vmem>> -> memref<64x200xi32, #tpu.memory_space<vmem>>
    %dma_start3A_36 = arith.constant 0 : i32
    %dma_start3A_37 = tpu.memref_slice %arg2[%add3A_30, %dma_start3A_36] : memref<8192x200xi32, #tpu.memory_space<hbm>> -> memref<64x200xi32, #tpu.memory_space<hbm>>
    %dma_start3A_38 = arith.constant 0 : i32
    %dma_start3A_39 = arith.constant 0 : i32
    %dma_start3A_40 = tpu.memref_slice %arg6[%dma_start3A_31, %dma_start3A_38, %dma_start3A_39] : memref<2x64x200xi32, #tpu.memory_space<vmem>> -> memref<1x64x200xi32, #tpu.memory_space<vmem>>
    %dma_start3A_41 = tpu.memref_squeeze %dma_start3A_40 : memref<1x64x200xi32, #tpu.memory_space<vmem>> -> memref<64x200xi32, #tpu.memory_space<vmem>>
    %dma_start3A_42 = arith.constant 0 : i32
    %dma_start3A_43 = tpu.memref_slice %arg2[%add3A_30, %dma_start3A_42] : memref<8192x200xi32, #tpu.memory_space<hbm>> -> memref<64x200xi32, #tpu.memory_space<hbm>>
    tpu.enqueue_dma source(%dma_start3A_43 : memref<64x200xi32, #tpu.memory_space<hbm>>) target(%dma_start3A_41 : memref<64x200xi32, #tpu.memory_space<vmem>>) target_semaphore(%arg9 : memref<!tpu.dma_semaphore, #tpu.memory_space<semaphore_mem>>)
    %scan3A = arith.constant 0 : i32
    %scan3A_44 = arith.constant 0 : i32
    %scan3A_45 = arith.constant 64 : i32
    %scan3A_46 = arith.addi %scan3A_44, %scan3A_45 : i32
    %scan3A_47 = arith.constant 1 : i32
    scf.for %scan3A_248 = %scan3A_44 to %scan3A_46 step %scan3A_47  : i32 {
      %get3A = arith.constant 0 : i32
      %get3A_249 = arith.index_cast %get3A : i32 to index
      %get3A_250 = arith.index_cast %scan3A_248 : i32 to index
      %get3A_251 = arith.constant 0 : index
      %get3A_252 = tpu.vector_load %arg6[%get3A_249, %get3A_250, %get3A_251] {strides = array<i32>} : memref<2x64x200xi32, #tpu.memory_space<vmem>>, vector<16xi32>,
      %max3A = arith.constant 0 : i32
      %max3A_253 = vector.broadcast %max3A : i32 to vector<16xi32>
      %max3A_254 = arith.maxsi %get3A_252, %max3A_253 : vector<16xi32>
      %min3A = arith.constant 34 : i32
      %min3A_255 = vector.broadcast %min3A : i32 to vector<16xi32>
      %min3A_256 = arith.minsi %max3A_254, %min3A_255 : vector<16xi32>
      %gather3A = tpu.vector_load_idx %arg5[%min3A_256] : memref<40xf32, #tpu.memory_space<vmem>>[vector<16xi32>], vector<16xf32>,
      %swap3A = arith.constant 0 : i32
      %swap3A_257 = arith.index_cast %swap3A : i32 to index
      %swap3A_258 = arith.index_cast %scan3A_248 : i32 to index
      %swap3A_259 = arith.constant 0 : index
      %swap3A_260 = tpu.vector_load %arg7[%swap3A_257, %swap3A_258, %swap3A_259] {strides = array<i32>} : memref<2x64x200xf32, #tpu.memory_space<vmem>>, vector<16xf32>,
      tpu.vector_store %arg7[%swap3A_257, %swap3A_258, %swap3A_259], %gather3A {strides = array<i32>} : memref<2x64x200xf32, #tpu.memory_space<vmem>>, vector<16xf32>,
      %get3A_261 = arith.constant 0 : i32
      %get3A_262 = arith.index_cast %get3A_261 : i32 to index
      %get3A_263 = arith.index_cast %scan3A_248 : i32 to index
      %get3A_264 = arith.constant 16 : index
      %get3A_265 = tpu.vector_load %arg6[%get3A_262, %get3A_263, %get3A_264] {strides = array<i32>} : memref<2x64x200xi32, #tpu.memory_space<vmem>>, vector<16xi32>,
      %max3A_266 = arith.constant 0 : i32
      %max3A_267 = vector.broadcast %max3A_266 : i32 to vector<16xi32>
      %max3A_268 = arith.maxsi %get3A_265, %max3A_267 : vector<16xi32>
      %min3A_269 = arith.constant 34 : i32
      %min3A_270 = vector.broadcast %min3A_269 : i32 to vector<16xi32>
      %min3A_271 = arith.minsi %max3A_268, %min3A_270 : vector<16xi32>
      %gather3A_272 = tpu.vector_load_idx %arg5[%min3A_271] : memref<40xf32, #tpu.memory_space<vmem>>[vector<16xi32>], vector<16xf32>,
      %swap3A_273 = arith.constant 0 : i32
      %swap3A_274 = arith.index_cast %swap3A_273 : i32 to index
      %swap3A_275 = arith.index_cast %scan3A_248 : i32 to index
      %swap3A_276 = arith.constant 16 : index
      %swap3A_277 = tpu.vector_load %arg7[%swap3A_274, %swap3A_275, %swap3A_276] {strides = array<i32>} : memref<2x64x200xf32, #tpu.memory_space<vmem>>, vector<16xf32>,
      tpu.vector_store %arg7[%swap3A_274, %swap3A_275, %swap3A_276], %gather3A_272 {strides = array<i32>} : memref<2x64x200xf32, #tpu.memory_space<vmem>>, vector<16xf32>,
      %get3A_278 = arith.constant 0 : i32
      %get3A_279 = arith.index_cast %get3A_278 : i32 to index
      %get3A_280 = arith.index_cast %scan3A_248 : i32 to index
      %get3A_281 = arith.constant 32 : index
      %get3A_282 = tpu.vector_load %arg6[%get3A_279, %get3A_280, %get3A_281] {strides = array<i32>} : memref<2x64x200xi32, #tpu.memory_space<vmem>>, vector<16xi32>,
      %max3A_283 = arith.constant 0 : i32
      %max3A_284 = vector.broadcast %max3A_283 : i32 to vector<16xi32>
      %max3A_285 = arith.maxsi %get3A_282, %max3A_284 : vector<16xi32>
      %min3A_286 = arith.constant 34 : i32
      %min3A_287 = vector.broadcast %min3A_286 : i32 to vector<16xi32>
      %min3A_288 = arith.minsi %max3A_285, %min3A_287 : vector<16xi32>
      %gather3A_289 = tpu.vector_load_idx %arg5[%min3A_288] : memref<40xf32, #tpu.memory_space<vmem>>[vector<16xi32>], vector<16xf32>,
      %swap3A_290 = arith.constant 0 : i32
      %swap3A_291 = arith.index_cast %swap3A_290 : i32 to index
      %swap3A_292 = arith.index_cast %scan3A_248 : i32 to index
      %swap3A_293 = arith.constant 32 : index
      %swap3A_294 = tpu.vector_load %arg7[%swap3A_291, %swap3A_292, %swap3A_293] {strides = array<i32>} : memref<2x64x200xf32, #tpu.memory_space<vmem>>, vector<16xf32>,
      tpu.vector_store %arg7[%swap3A_291, %swap3A_292, %swap3A_293], %gather3A_289 {strides = array<i32>} : memref<2x64x200xf32, #tpu.memory_space<vmem>>, vector<16xf32>,
      %get3A_295 = arith.constant 0 : i32
      %get3A_296 = arith.index_cast %get3A_295 : i32 to index
      %get3A_297 = arith.index_cast %scan3A_248 : i32 to index
      %get3A_298 = arith.constant 48 : index
      %get3A_299 = tpu.vector_load %arg6[%get3A_296, %get3A_297, %get3A_298] {strides = array<i32>} : memref<2x64x200xi32, #tpu.memory_space<vmem>>, vector<16xi32>,
      %max3A_300 = arith.constant 0 : i32
      %max3A_301 = vector.broadcast %max3A_300 : i32 to vector<16xi32>
      %max3A_302 = arith.maxsi %get3A_299, %max3A_301 : vector<16xi32>
      %min3A_303 = arith.constant 34 : i32
      %min3A_304 = vector.broadcast %min3A_303 : i32 to vector<16xi32>
      %min3A_305 = arith.minsi %max3A_302, %min3A_304 : vector<16xi32>
      %gather3A_306 = tpu.vector_load_idx %arg5[%min3A_305] : memref<40xf32, #tpu.memory_space<vmem>>[vector<16xi32>], vector<16xf32>,
      %swap3A_307 = arith.constant 0 : i32
      %swap3A_308 = arith.index_cast %swap3A_307 : i32 to index
      %swap3A_309 = arith.index_cast %scan3A_248 : i32 to index
      %swap3A_310 = arith.constant 48 : index
      %swap3A_311 = tpu.vector_load %arg7[%swap3A_308, %swap3A_309, %swap3A_310] {strides = array<i32>} : memref<2x64x200xf32, #tpu.memory_space<vmem>>, vector<16xf32>,
      tpu.vector_store %arg7[%swap3A_308, %swap3A_309, %swap3A_310], %gather3A_306 {strides = array<i32>} : memref<2x64x200xf32, #tpu.memory_space<vmem>>, vector<16xf32>,
      %get3A_312 = arith.constant 0 : i32
      %get3A_313 = arith.index_cast %get3A_312 : i32 to index
      %get3A_314 = arith.index_cast %scan3A_248 : i32 to index
      %get3A_315 = arith.constant 64 : index
      %get3A_316 = tpu.vector_load %arg6[%get3A_313, %get3A_314, %get3A_315] {strides = array<i32>} : memref<2x64x200xi32, #tpu.memory_space<vmem>>, vector<16xi32>,
      %max3A_317 = arith.constant 0 : i32
      %max3A_318 = vector.broadcast %max3A_317 : i32 to vector<16xi32>
      %max3A_319 = arith.maxsi %get3A_316, %max3A_318 : vector<16xi32>
      %min3A_320 = arith.constant 34 : i32
      %min3A_321 = vector.broadcast %min3A_320 : i32 to vector<16xi32>
      %min3A_322 = arith.minsi %max3A_319, %min3A_321 : vector<16xi32>
      %gather3A_323 = tpu.vector_load_idx %arg5[%min3A_322] : memref<40xf32, #tpu.memory_space<vmem>>[vector<16xi32>], vector<16xf32>,
      %swap3A_324 = arith.constant 0 : i32
      %swap3A_325 = arith.index_cast %swap3A_324 : i32 to index
      %swap3A_326 = arith.index_cast %scan3A_248 : i32 to index
      %swap3A_327 = arith.constant 64 : index
      %swap3A_328 = tpu.vector_load %arg7[%swap3A_325, %swap3A_326, %swap3A_327] {strides = array<i32>} : memref<2x64x200xf32, #tpu.memory_space<vmem>>, vector<16xf32>,
      tpu.vector_store %arg7[%swap3A_325, %swap3A_326, %swap3A_327], %gather3A_323 {strides = array<i32>} : memref<2x64x200xf32, #tpu.memory_space<vmem>>, vector<16xf32>,
      %get3A_329 = arith.constant 0 : i32
      %get3A_330 = arith.index_cast %get3A_329 : i32 to index
      %get3A_331 = arith.index_cast %scan3A_248 : i32 to index
      %get3A_332 = arith.constant 80 : index
      %get3A_333 = tpu.vector_load %arg6[%get3A_330, %get3A_331, %get3A_332] {strides = array<i32>} : memref<2x64x200xi32, #tpu.memory_space<vmem>>, vector<16xi32>,
      %max3A_334 = arith.constant 0 : i32
      %max3A_335 = vector.broadcast %max3A_334 : i32 to vector<16xi32>
      %max3A_336 = arith.maxsi %get3A_333, %max3A_335 : vector<16xi32>
      %min3A_337 = arith.constant 34 : i32
      %min3A_338 = vector.broadcast %min3A_337 : i32 to vector<16xi32>
      %min3A_339 = arith.minsi %max3A_336, %min3A_338 : vector<16xi32>
      %gather3A_340 = tpu.vector_load_idx %arg5[%min3A_339] : memref<40xf32, #tpu.memory_space<vmem>>[vector<16xi32>], vector<16xf32>,
      %swap3A_341 = arith.constant 0 : i32
      %swap3A_342 = arith.index_cast %swap3A_341 : i32 to index
      %swap3A_343 = arith.index_cast %scan3A_248 : i32 to index
      %swap3A_344 = arith.constant 80 : index
      %swap3A_345 = tpu.vector_load %arg7[%swap3A_342, %swap3A_343, %swap3A_344] {strides = array<i32>} : memref<2x64x200xf32, #tpu.memory_space<vmem>>, vector<16xf32>,
      tpu.vector_store %arg7[%swap3A_342, %swap3A_343, %swap3A_344], %gather3A_340 {strides = array<i32>} : memref<2x64x200xf32, #tpu.memory_space<vmem>>, vector<16xf32>,
      %get3A_346 = arith.constant 0 : i32
      %get3A_347 = arith.index_cast %get3A_346 : i32 to index
      %get3A_348 = arith.index_cast %scan3A_248 : i32 to index
      %get3A_349 = arith.constant 96 : index
      %get3A_350 = tpu.vector_load %arg6[%get3A_347, %get3A_348, %get3A_349] {strides = array<i32>} : memref<2x64x200xi32, #tpu.memory_space<vmem>>, vector<16xi32>,
      %max3A_351 = arith.constant 0 : i32
      %max3A_352 = vector.broadcast %max3A_351 : i32 to vector<16xi32>
      %max3A_353 = arith.maxsi %get3A_350, %max3A_352 : vector<16xi32>
      %min3A_354 = arith.constant 34 : i32
      %min3A_355 = vector.broadcast %min3A_354 : i32 to vector<16xi32>
      %min3A_356 = arith.minsi %max3A_353, %min3A_355 : vector<16xi32>
      %gather3A_357 = tpu.vector_load_idx %arg5[%min3A_356] : memref<40xf32, #tpu.memory_space<vmem>>[vector<16xi32>], vector<16xf32>,
      %swap3A_358 = arith.constant 0 : i32
      %swap3A_359 = arith.index_cast %swap3A_358 : i32 to index
      %swap3A_360 = arith.index_cast %scan3A_248 : i32 to index
      %swap3A_361 = arith.constant 96 : index
      %swap3A_362 = tpu.vector_load %arg7[%swap3A_359, %swap3A_360, %swap3A_361] {strides = array<i32>} : memref<2x64x200xf32, #tpu.memory_space<vmem>>, vector<16xf32>,
      tpu.vector_store %arg7[%swap3A_359, %swap3A_360, %swap3A_361], %gather3A_357 {strides = array<i32>} : memref<2x64x200xf32, #tpu.memory_space<vmem>>, vector<16xf32>,
      %get3A_363 = arith.constant 0 : i32
      %get3A_364 = arith.index_cast %get3A_363 : i32 to index
      %get3A_365 = arith.index_cast %scan3A_248 : i32 to index
      %get3A_366 = arith.constant 112 : index
      %get3A_367 = tpu.vector_load %arg6[%get3A_364, %get3A_365, %get3A_366] {strides = array<i32>} : memref<2x64x200xi32, #tpu.memory_space<vmem>>, vector<16xi32>,
      %max3A_368 = arith.constant 0 : i32
      %max3A_369 = vector.broadcast %max3A_368 : i32 to vector<16xi32>
      %max3A_370 = arith.maxsi %get3A_367, %max3A_369 : vector<16xi32>
      %min3A_371 = arith.constant 34 : i32
      %min3A_372 = vector.broadcast %min3A_371 : i32 to vector<16xi32>
      %min3A_373 = arith.minsi %max3A_370, %min3A_372 : vector<16xi32>
      %gather3A_374 = tpu.vector_load_idx %arg5[%min3A_373] : memref<40xf32, #tpu.memory_space<vmem>>[vector<16xi32>], vector<16xf32>,
      %swap3A_375 = arith.constant 0 : i32
      %swap3A_376 = arith.index_cast %swap3A_375 : i32 to index
      %swap3A_377 = arith.index_cast %scan3A_248 : i32 to index
      %swap3A_378 = arith.constant 112 : index
      %swap3A_379 = tpu.vector_load %arg7[%swap3A_376, %swap3A_377, %swap3A_378] {strides = array<i32>} : memref<2x64x200xf32, #tpu.memory_space<vmem>>, vector<16xf32>,
      tpu.vector_store %arg7[%swap3A_376, %swap3A_377, %swap3A_378], %gather3A_374 {strides = array<i32>} : memref<2x64x200xf32, #tpu.memory_space<vmem>>, vector<16xf32>,
      %get3A_380 = arith.constant 0 : i32
      %get3A_381 = arith.index_cast %get3A_380 : i32 to index
      %get3A_382 = arith.index_cast %scan3A_248 : i32 to index
      %get3A_383 = arith.constant 128 : index
      %get3A_384 = tpu.vector_load %arg6[%get3A_381, %get3A_382, %get3A_383] {strides = array<i32>} : memref<2x64x200xi32, #tpu.memory_space<vmem>>, vector<16xi32>,
      %max3A_385 = arith.constant 0 : i32
      %max3A_386 = vector.broadcast %max3A_385 : i32 to vector<16xi32>
      %max3A_387 = arith.maxsi %get3A_384, %max3A_386 : vector<16xi32>
      %min3A_388 = arith.constant 34 : i32
      %min3A_389 = vector.broadcast %min3A_388 : i32 to vector<16xi32>
      %min3A_390 = arith.minsi %max3A_387, %min3A_389 : vector<16xi32>
      %gather3A_391 = tpu.vector_load_idx %arg5[%min3A_390] : memref<40xf32, #tpu.memory_space<vmem>>[vector<16xi32>], vector<16xf32>,
      %swap3A_392 = arith.constant 0 : i32
      %swap3A_393 = arith.index_cast %swap3A_392 : i32 to index
      %swap3A_394 = arith.index_cast %scan3A_248 : i32 to index
      %swap3A_395 = arith.constant 128 : index
      %swap3A_396 = tpu.vector_load %arg7[%swap3A_393, %swap3A_394, %swap3A_395] {strides = array<i32>} : memref<2x64x200xf32, #tpu.memory_space<vmem>>, vector<16xf32>,
      tpu.vector_store %arg7[%swap3A_393, %swap3A_394, %swap3A_395], %gather3A_391 {strides = array<i32>} : memref<2x64x200xf32, #tpu.memory_space<vmem>>, vector<16xf32>,
      %get3A_397 = arith.constant 0 : i32
      %get3A_398 = arith.index_cast %get3A_397 : i32 to index
      %get3A_399 = arith.index_cast %scan3A_248 : i32 to index
      %get3A_400 = arith.constant 144 : index
      %get3A_401 = tpu.vector_load %arg6[%get3A_398, %get3A_399, %get3A_400] {strides = array<i32>} : memref<2x64x200xi32, #tpu.memory_space<vmem>>, vector<16xi32>,
      %max3A_402 = arith.constant 0 : i32
      %max3A_403 = vector.broadcast %max3A_402 : i32 to vector<16xi32>
      %max3A_404 = arith.maxsi %get3A_401, %max3A_403 : vector<16xi32>
      %min3A_405 = arith.constant 34 : i32
      %min3A_406 = vector.broadcast %min3A_405 : i32 to vector<16xi32>
      %min3A_407 = arith.minsi %max3A_404, %min3A_406 : vector<16xi32>
      %gather3A_408 = tpu.vector_load_idx %arg5[%min3A_407] : memref<40xf32, #tpu.memory_space<vmem>>[vector<16xi32>], vector<16xf32>,
      %swap3A_409 = arith.constant 0 : i32
      %swap3A_410 = arith.index_cast %swap3A_409 : i32 to index
      %swap3A_411 = arith.index_cast %scan3A_248 : i32 to index
      %swap3A_412 = arith.constant 144 : index
      %swap3A_413 = tpu.vector_load %arg7[%swap3A_410, %swap3A_411, %swap3A_412] {strides = array<i32>} : memref<2x64x200xf32, #tpu.memory_space<vmem>>, vector<16xf32>,
      tpu.vector_store %arg7[%swap3A_410, %swap3A_411, %swap3A_412], %gather3A_408 {strides = array<i32>} : memref<2x64x200xf32, #tpu.memory_space<vmem>>, vector<16xf32>,
      %get3A_414 = arith.constant 0 : i32
      %get3A_415 = arith.index_cast %get3A_414 : i32 to index
      %get3A_416 = arith.index_cast %scan3A_248 : i32 to index
      %get3A_417 = arith.constant 160 : index
      %get3A_418 = tpu.vector_load %arg6[%get3A_415, %get3A_416, %get3A_417] {strides = array<i32>} : memref<2x64x200xi32, #tpu.memory_space<vmem>>, vector<16xi32>,
      %max3A_419 = arith.constant 0 : i32
      %max3A_420 = vector.broadcast %max3A_419 : i32 to vector<16xi32>
      %max3A_421 = arith.maxsi %get3A_418, %max3A_420 : vector<16xi32>
      %min3A_422 = arith.constant 34 : i32
      %min3A_423 = vector.broadcast %min3A_422 : i32 to vector<16xi32>
      %min3A_424 = arith.minsi %max3A_421, %min3A_423 : vector<16xi32>
      %gather3A_425 = tpu.vector_load_idx %arg5[%min3A_424] : memref<40xf32, #tpu.memory_space<vmem>>[vector<16xi32>], vector<16xf32>,
      %swap3A_426 = arith.constant 0 : i32
      %swap3A_427 = arith.index_cast %swap3A_426 : i32 to index
      %swap3A_428 = arith.index_cast %scan3A_248 : i32 to index
      %swap3A_429 = arith.constant 160 : index
      %swap3A_430 = tpu.vector_load %arg7[%swap3A_427, %swap3A_428, %swap3A_429] {strides = array<i32>} : memref<2x64x200xf32, #tpu.memory_space<vmem>>, vector<16xf32>,
      tpu.vector_store %arg7[%swap3A_427, %swap3A_428, %swap3A_429], %gather3A_425 {strides = array<i32>} : memref<2x64x200xf32, #tpu.memory_space<vmem>>, vector<16xf32>,
      %get3A_431 = arith.constant 0 : i32
      %get3A_432 = arith.index_cast %get3A_431 : i32 to index
      %get3A_433 = arith.index_cast %scan3A_248 : i32 to index
      %get3A_434 = arith.constant 176 : index
      %get3A_435 = tpu.vector_load %arg6[%get3A_432, %get3A_433, %get3A_434] {strides = array<i32>} : memref<2x64x200xi32, #tpu.memory_space<vmem>>, vector<16xi32>,
      %max3A_436 = arith.constant 0 : i32
      %max3A_437 = vector.broadcast %max3A_436 : i32 to vector<16xi32>
      %max3A_438 = arith.maxsi %get3A_435, %max3A_437 : vector<16xi32>
      %min3A_439 = arith.constant 34 : i32
      %min3A_440 = vector.broadcast %min3A_439 : i32 to vector<16xi32>
      %min3A_441 = arith.minsi %max3A_438, %min3A_440 : vector<16xi32>
      %gather3A_442 = tpu.vector_load_idx %arg5[%min3A_441] : memref<40xf32, #tpu.memory_space<vmem>>[vector<16xi32>], vector<16xf32>,
      %swap3A_443 = arith.constant 0 : i32
      %swap3A_444 = arith.index_cast %swap3A_443 : i32 to index
      %swap3A_445 = arith.index_cast %scan3A_248 : i32 to index
      %swap3A_446 = arith.constant 176 : index
      %swap3A_447 = tpu.vector_load %arg7[%swap3A_444, %swap3A_445, %swap3A_446] {strides = array<i32>} : memref<2x64x200xf32, #tpu.memory_space<vmem>>, vector<16xf32>,
      tpu.vector_store %arg7[%swap3A_444, %swap3A_445, %swap3A_446], %gather3A_442 {strides = array<i32>} : memref<2x64x200xf32, #tpu.memory_space<vmem>>, vector<16xf32>,
      %get3A_448 = arith.constant 0 : i32
      %get3A_449 = arith.index_cast %get3A_448 : i32 to index
      %get3A_450 = arith.index_cast %scan3A_248 : i32 to index
      %get3A_451 = arith.constant 184 : index
      %get3A_452 = tpu.vector_load %arg6[%get3A_449, %get3A_450, %get3A_451] {strides = array<i32>} : memref<2x64x200xi32, #tpu.memory_space<vmem>>, vector<16xi32>,
      %max3A_453 = arith.constant 0 : i32
      %max3A_454 = vector.broadcast %max3A_453 : i32 to vector<16xi32>
      %max3A_455 = arith.maxsi %get3A_452, %max3A_454 : vector<16xi32>
      %min3A_456 = arith.constant 34 : i32
      %min3A_457 = vector.broadcast %min3A_456 : i32 to vector<16xi32>
      %min3A_458 = arith.minsi %max3A_455, %min3A_457 : vector<16xi32>
      %gather3A_459 = tpu.vector_load_idx %arg5[%min3A_458] : memref<40xf32, #tpu.memory_space<vmem>>[vector<16xi32>], vector<16xf32>,
      %swap3A_460 = arith.constant 0 : i32
      %swap3A_461 = arith.index_cast %swap3A_460 : i32 to index
      %swap3A_462 = arith.index_cast %scan3A_248 : i32 to index
      %swap3A_463 = arith.constant 184 : index
      %swap3A_464 = tpu.vector_load %arg7[%swap3A_461, %swap3A_462, %swap3A_463] {strides = array<i32>} : memref<2x64x200xf32, #tpu.memory_space<vmem>>, vector<16xf32>,
      tpu.vector_store %arg7[%swap3A_461, %swap3A_462, %swap3A_463], %gather3A_459 {strides = array<i32>} : memref<2x64x200xf32, #tpu.memory_space<vmem>>, vector<16xf32>,
    }
    %scan3A_48 = arith.constant 64 : i32
    %add3A_49 = arith.constant 0 : i32
    %add3A_50 = arith.addi %mul3A_2, %add3A_49 : i32
    %dma_start3A_51 = arith.constant 0 : i32
    %dma_start3A_52 = arith.constant 0 : i32
    %dma_start3A_53 = arith.constant 0 : i32
    %dma_start3A_54 = tpu.memref_slice %arg7[%dma_start3A_51, %dma_start3A_52, %dma_start3A_53] : memref<2x64x200xf32, #tpu.memory_space<vmem>> -> memref<1x64x200xf32, #tpu.memory_space<vmem>>
    %dma_start3A_55 = tpu.memref_squeeze %dma_start3A_54 : memref<1x64x200xf32, #tpu.memory_space<vmem>> -> memref<64x200xf32, #tpu.memory_space<vmem>>
    %dma_start3A_56 = arith.constant 0 : i32
    %dma_start3A_57 = tpu.memref_slice %arg4[%add3A_50, %dma_start3A_56] : memref<8192x200xf32, #tpu.memory_space<hbm>> -> memref<64x200xf32, #tpu.memory_space<hbm>>
    %dma_start3A_58 = arith.constant 0 : i32
    %dma_start3A_59 = tpu.memref_slice %arg4[%add3A_50, %dma_start3A_58] : memref<8192x200xf32, #tpu.memory_space<hbm>> -> memref<64x200xf32, #tpu.memory_space<hbm>>
    %dma_start3A_60 = arith.constant 0 : i32
    %dma_start3A_61 = arith.constant 0 : i32
    %dma_start3A_62 = tpu.memref_slice %arg7[%dma_start3A_51, %dma_start3A_60, %dma_start3A_61] : memref<2x64x200xf32, #tpu.memory_space<vmem>> -> memref<1x64x200xf32, #tpu.memory_space<vmem>>
    %dma_start3A_63 = tpu.memref_squeeze %dma_start3A_62 : memref<1x64x200xf32, #tpu.memory_space<vmem>> -> memref<64x200xf32, #tpu.memory_space<vmem>>
    tpu.enqueue_dma source(%dma_start3A_63 : memref<64x200xf32, #tpu.memory_space<vmem>>) target(%dma_start3A_59 : memref<64x200xf32, #tpu.memory_space<hbm>>) target_semaphore(%arg10 : memref<!tpu.dma_semaphore, #tpu.memory_space<semaphore_mem>>)
    %dma_wait3A_64 = arith.constant 1 : i32
    %dma_wait3A_65 = arith.constant 0 : i32
    %dma_wait3A_66 = arith.constant 0 : i32
    %dma_wait3A_67 = tpu.memref_slice %arg6[%dma_wait3A_64, %dma_wait3A_65, %dma_wait3A_66] : memref<2x64x200xi32, #tpu.memory_space<vmem>> -> memref<1x64x200xi32, #tpu.memory_space<vmem>>
    %dma_wait3A_68 = tpu.memref_squeeze %dma_wait3A_67 : memref<1x64x200xi32, #tpu.memory_space<vmem>> -> memref<64x200xi32, #tpu.memory_space<vmem>>
    %dma_wait3A_69 = arith.constant 0 : i32
    %dma_wait3A_70 = tpu.memref_slice %arg2[%add3A_30, %dma_wait3A_69] : memref<8192x200xi32, #tpu.memory_space<hbm>> -> memref<64x200xi32, #tpu.memory_space<hbm>>
    %dma_wait3A_71 = arith.constant 0 : i32
    %dma_wait3A_72 = arith.constant 0 : i32
    %dma_wait3A_73 = tpu.memref_slice %arg6[%dma_wait3A_64, %dma_wait3A_71, %dma_wait3A_72] : memref<2x64x200xi32, #tpu.memory_space<vmem>> -> memref<1x64x200xi32, #tpu.memory_space<vmem>>
    %dma_wait3A_74 = tpu.memref_squeeze %dma_wait3A_73 : memref<1x64x200xi32, #tpu.memory_space<vmem>> -> memref<64x200xi32, #tpu.memory_space<vmem>>
    %dma_wait3A_75 = arith.constant 0 : i32
    %dma_wait3A_76 = tpu.memref_slice %arg2[%add3A_30, %dma_wait3A_75] : memref<8192x200xi32, #tpu.memory_space<hbm>> -> memref<64x200xi32, #tpu.memory_space<hbm>>
    tpu.wait_dma2 semaphore(%arg9 : memref<!tpu.dma_semaphore, #tpu.memory_space<semaphore_mem>>) src(%dma_wait3A_76 : memref<64x200xi32, #tpu.memory_space<hbm>>) dst(%dma_wait3A_74 : memref<64x200xi32, #tpu.memory_space<vmem>>)
    %add3A_77 = arith.constant 128 : i32
    %add3A_78 = arith.addi %mul3A_2, %add3A_77 : i32
    %dma_start3A_79 = arith.constant 0 : i32
    %dma_start3A_80 = arith.constant 0 : i32
    %dma_start3A_81 = arith.constant 0 : i32
    %dma_start3A_82 = tpu.memref_slice %arg6[%dma_start3A_79, %dma_start3A_80, %dma_start3A_81] : memref<2x64x200xi32, #tpu.memory_space<vmem>> -> memref<1x64x200xi32, #tpu.memory_space<vmem>>
    %dma_start3A_83 = tpu.memref_squeeze %dma_start3A_82 : memref<1x64x200xi32, #tpu.memory_space<vmem>> -> memref<64x200xi32, #tpu.memory_space<vmem>>
    %dma_start3A_84 = arith.constant 0 : i32
    %dma_start3A_85 = tpu.memref_slice %arg2[%add3A_78, %dma_start3A_84] : memref<8192x200xi32, #tpu.memory_space<hbm>> -> memref<64x200xi32, #tpu.memory_space<hbm>>
    %dma_start3A_86 = arith.constant 0 : i32
    %dma_start3A_87 = arith.constant 0 : i32
    %dma_start3A_88 = tpu.memref_slice %arg6[%dma_start3A_79, %dma_start3A_86, %dma_start3A_87] : memref<2x64x200xi32, #tpu.memory_space<vmem>> -> memref<1x64x200xi32, #tpu.memory_space<vmem>>
    %dma_start3A_89 = tpu.memref_squeeze %dma_start3A_88 : memref<1x64x200xi32, #tpu.memory_space<vmem>> -> memref<64x200xi32, #tpu.memory_space<vmem>>
    %dma_start3A_90 = arith.constant 0 : i32
    %dma_start3A_91 = tpu.memref_slice %arg2[%add3A_78, %dma_start3A_90] : memref<8192x200xi32, #tpu.memory_space<hbm>> -> memref<64x200xi32, #tpu.memory_space<hbm>>
    tpu.enqueue_dma source(%dma_start3A_91 : memref<64x200xi32, #tpu.memory_space<hbm>>) target(%dma_start3A_89 : memref<64x200xi32, #tpu.memory_space<vmem>>) target_semaphore(%arg8 : memref<!tpu.dma_semaphore, #tpu.memory_space<semaphore_mem>>)
    %scan3A_92 = arith.constant 0 : i32
    %scan3A_93 = arith.constant 0 : i32
    %scan3A_94 = arith.constant 64 : i32
    %scan3A_95 = arith.addi %scan3A_93, %scan3A_94 : i32
    %scan3A_96 = arith.constant 1 : i32
    scf.for %scan3A_248 = %scan3A_93 to %scan3A_95 step %scan3A_96  : i32 {
      %get3A = arith.constant 1 : i32
      %get3A_249 = arith.index_cast %get3A : i32 to index
      %get3A_250 = arith.index_cast %scan3A_248 : i32 to index
      %get3A_251 = arith.constant 0 : index
      %get3A_252 = tpu.vector_load %arg6[%get3A_249, %get3A_250, %get3A_251] {strides = array<i32>} : memref<2x64x200xi32, #tpu.memory_space<vmem>>, vector<16xi32>,
      %max3A = arith.constant 0 : i32
      %max3A_253 = vector.broadcast %max3A : i32 to vector<16xi32>
      %max3A_254 = arith.maxsi %get3A_252, %max3A_253 : vector<16xi32>
      %min3A = arith.constant 34 : i32
      %min3A_255 = vector.broadcast %min3A : i32 to vector<16xi32>
      %min3A_256 = arith.minsi %max3A_254, %min3A_255 : vector<16xi32>
      %gather3A = tpu.vector_load_idx %arg5[%min3A_256] : memref<40xf32, #tpu.memory_space<vmem>>[vector<16xi32>], vector<16xf32>,
      %swap3A = arith.constant 1 : i32
      %swap3A_257 = arith.index_cast %swap3A : i32 to index
      %swap3A_258 = arith.index_cast %scan3A_248 : i32 to index
      %swap3A_259 = arith.constant 0 : index
      %swap3A_260 = tpu.vector_load %arg7[%swap3A_257, %swap3A_258, %swap3A_259] {strides = array<i32>} : memref<2x64x200xf32, #tpu.memory_space<vmem>>, vector<16xf32>,
      tpu.vector_store %arg7[%swap3A_257, %swap3A_258, %swap3A_259], %gather3A {strides = array<i32>} : memref<2x64x200xf32, #tpu.memory_space<vmem>>, vector<16xf32>,
      %get3A_261 = arith.constant 1 : i32
      %get3A_262 = arith.index_cast %get3A_261 : i32 to index
      %get3A_263 = arith.index_cast %scan3A_248 : i32 to index
      %get3A_264 = arith.constant 16 : index
      %get3A_265 = tpu.vector_load %arg6[%get3A_262, %get3A_263, %get3A_264] {strides = array<i32>} : memref<2x64x200xi32, #tpu.memory_space<vmem>>, vector<16xi32>,
      %max3A_266 = arith.constant 0 : i32
      %max3A_267 = vector.broadcast %max3A_266 : i32 to vector<16xi32>
      %max3A_268 = arith.maxsi %get3A_265, %max3A_267 : vector<16xi32>
      %min3A_269 = arith.constant 34 : i32
      %min3A_270 = vector.broadcast %min3A_269 : i32 to vector<16xi32>
      %min3A_271 = arith.minsi %max3A_268, %min3A_270 : vector<16xi32>
      %gather3A_272 = tpu.vector_load_idx %arg5[%min3A_271] : memref<40xf32, #tpu.memory_space<vmem>>[vector<16xi32>], vector<16xf32>,
      %swap3A_273 = arith.constant 1 : i32
      %swap3A_274 = arith.index_cast %swap3A_273 : i32 to index
      %swap3A_275 = arith.index_cast %scan3A_248 : i32 to index
      %swap3A_276 = arith.constant 16 : index
      %swap3A_277 = tpu.vector_load %arg7[%swap3A_274, %swap3A_275, %swap3A_276] {strides = array<i32>} : memref<2x64x200xf32, #tpu.memory_space<vmem>>, vector<16xf32>,
      tpu.vector_store %arg7[%swap3A_274, %swap3A_275, %swap3A_276], %gather3A_272 {strides = array<i32>} : memref<2x64x200xf32, #tpu.memory_space<vmem>>, vector<16xf32>,
      %get3A_278 = arith.constant 1 : i32
      %get3A_279 = arith.index_cast %get3A_278 : i32 to index
      %get3A_280 = arith.index_cast %scan3A_248 : i32 to index
      %get3A_281 = arith.constant 32 : index
      %get3A_282 = tpu.vector_load %arg6[%get3A_279, %get3A_280, %get3A_281] {strides = array<i32>} : memref<2x64x200xi32, #tpu.memory_space<vmem>>, vector<16xi32>,
      %max3A_283 = arith.constant 0 : i32
      %max3A_284 = vector.broadcast %max3A_283 : i32 to vector<16xi32>
      %max3A_285 = arith.maxsi %get3A_282, %max3A_284 : vector<16xi32>
      %min3A_286 = arith.constant 34 : i32
      %min3A_287 = vector.broadcast %min3A_286 : i32 to vector<16xi32>
      %min3A_288 = arith.minsi %max3A_285, %min3A_287 : vector<16xi32>
      %gather3A_289 = tpu.vector_load_idx %arg5[%min3A_288] : memref<40xf32, #tpu.memory_space<vmem>>[vector<16xi32>], vector<16xf32>,
      %swap3A_290 = arith.constant 1 : i32
      %swap3A_291 = arith.index_cast %swap3A_290 : i32 to index
      %swap3A_292 = arith.index_cast %scan3A_248 : i32 to index
      %swap3A_293 = arith.constant 32 : index
      %swap3A_294 = tpu.vector_load %arg7[%swap3A_291, %swap3A_292, %swap3A_293] {strides = array<i32>} : memref<2x64x200xf32, #tpu.memory_space<vmem>>, vector<16xf32>,
      tpu.vector_store %arg7[%swap3A_291, %swap3A_292, %swap3A_293], %gather3A_289 {strides = array<i32>} : memref<2x64x200xf32, #tpu.memory_space<vmem>>, vector<16xf32>,
      %get3A_295 = arith.constant 1 : i32
      %get3A_296 = arith.index_cast %get3A_295 : i32 to index
      %get3A_297 = arith.index_cast %scan3A_248 : i32 to index
      %get3A_298 = arith.constant 48 : index
      %get3A_299 = tpu.vector_load %arg6[%get3A_296, %get3A_297, %get3A_298] {strides = array<i32>} : memref<2x64x200xi32, #tpu.memory_space<vmem>>, vector<16xi32>,
      %max3A_300 = arith.constant 0 : i32
      %max3A_301 = vector.broadcast %max3A_300 : i32 to vector<16xi32>
      %max3A_302 = arith.maxsi %get3A_299, %max3A_301 : vector<16xi32>
      %min3A_303 = arith.constant 34 : i32
      %min3A_304 = vector.broadcast %min3A_303 : i32 to vector<16xi32>
      %min3A_305 = arith.minsi %max3A_302, %min3A_304 : vector<16xi32>
      %gather3A_306 = tpu.vector_load_idx %arg5[%min3A_305] : memref<40xf32, #tpu.memory_space<vmem>>[vector<16xi32>], vector<16xf32>,
      %swap3A_307 = arith.constant 1 : i32
      %swap3A_308 = arith.index_cast %swap3A_307 : i32 to index
      %swap3A_309 = arith.index_cast %scan3A_248 : i32 to index
      %swap3A_310 = arith.constant 48 : index
      %swap3A_311 = tpu.vector_load %arg7[%swap3A_308, %swap3A_309, %swap3A_310] {strides = array<i32>} : memref<2x64x200xf32, #tpu.memory_space<vmem>>, vector<16xf32>,
      tpu.vector_store %arg7[%swap3A_308, %swap3A_309, %swap3A_310], %gather3A_306 {strides = array<i32>} : memref<2x64x200xf32, #tpu.memory_space<vmem>>, vector<16xf32>,
      %get3A_312 = arith.constant 1 : i32
      %get3A_313 = arith.index_cast %get3A_312 : i32 to index
      %get3A_314 = arith.index_cast %scan3A_248 : i32 to index
      %get3A_315 = arith.constant 64 : index
      %get3A_316 = tpu.vector_load %arg6[%get3A_313, %get3A_314, %get3A_315] {strides = array<i32>} : memref<2x64x200xi32, #tpu.memory_space<vmem>>, vector<16xi32>,
      %max3A_317 = arith.constant 0 : i32
      %max3A_318 = vector.broadcast %max3A_317 : i32 to vector<16xi32>
      %max3A_319 = arith.maxsi %get3A_316, %max3A_318 : vector<16xi32>
      %min3A_320 = arith.constant 34 : i32
      %min3A_321 = vector.broadcast %min3A_320 : i32 to vector<16xi32>
      %min3A_322 = arith.minsi %max3A_319, %min3A_321 : vector<16xi32>
      %gather3A_323 = tpu.vector_load_idx %arg5[%min3A_322] : memref<40xf32, #tpu.memory_space<vmem>>[vector<16xi32>], vector<16xf32>,
      %swap3A_324 = arith.constant 1 : i32
      %swap3A_325 = arith.index_cast %swap3A_324 : i32 to index
      %swap3A_326 = arith.index_cast %scan3A_248 : i32 to index
      %swap3A_327 = arith.constant 64 : index
      %swap3A_328 = tpu.vector_load %arg7[%swap3A_325, %swap3A_326, %swap3A_327] {strides = array<i32>} : memref<2x64x200xf32, #tpu.memory_space<vmem>>, vector<16xf32>,
      tpu.vector_store %arg7[%swap3A_325, %swap3A_326, %swap3A_327], %gather3A_323 {strides = array<i32>} : memref<2x64x200xf32, #tpu.memory_space<vmem>>, vector<16xf32>,
      %get3A_329 = arith.constant 1 : i32
      %get3A_330 = arith.index_cast %get3A_329 : i32 to index
      %get3A_331 = arith.index_cast %scan3A_248 : i32 to index
      %get3A_332 = arith.constant 80 : index
      %get3A_333 = tpu.vector_load %arg6[%get3A_330, %get3A_331, %get3A_332] {strides = array<i32>} : memref<2x64x200xi32, #tpu.memory_space<vmem>>, vector<16xi32>,
      %max3A_334 = arith.constant 0 : i32
      %max3A_335 = vector.broadcast %max3A_334 : i32 to vector<16xi32>
      %max3A_336 = arith.maxsi %get3A_333, %max3A_335 : vector<16xi32>
      %min3A_337 = arith.constant 34 : i32
      %min3A_338 = vector.broadcast %min3A_337 : i32 to vector<16xi32>
      %min3A_339 = arith.minsi %max3A_336, %min3A_338 : vector<16xi32>
      %gather3A_340 = tpu.vector_load_idx %arg5[%min3A_339] : memref<40xf32, #tpu.memory_space<vmem>>[vector<16xi32>], vector<16xf32>,
      %swap3A_341 = arith.constant 1 : i32
      %swap3A_342 = arith.index_cast %swap3A_341 : i32 to index
      %swap3A_343 = arith.index_cast %scan3A_248 : i32 to index
      %swap3A_344 = arith.constant 80 : index
      %swap3A_345 = tpu.vector_load %arg7[%swap3A_342, %swap3A_343, %swap3A_344] {strides = array<i32>} : memref<2x64x200xf32, #tpu.memory_space<vmem>>, vector<16xf32>,
      tpu.vector_store %arg7[%swap3A_342, %swap3A_343, %swap3A_344], %gather3A_340 {strides = array<i32>} : memref<2x64x200xf32, #tpu.memory_space<vmem>>, vector<16xf32>,
      %get3A_346 = arith.constant 1 : i32
      %get3A_347 = arith.index_cast %get3A_346 : i32 to index
      %get3A_348 = arith.index_cast %scan3A_248 : i32 to index
      %get3A_349 = arith.constant 96 : index
      %get3A_350 = tpu.vector_load %arg6[%get3A_347, %get3A_348, %get3A_349] {strides = array<i32>} : memref<2x64x200xi32, #tpu.memory_space<vmem>>, vector<16xi32>,
      %max3A_351 = arith.constant 0 : i32
      %max3A_352 = vector.broadcast %max3A_351 : i32 to vector<16xi32>
      %max3A_353 = arith.maxsi %get3A_350, %max3A_352 : vector<16xi32>
      %min3A_354 = arith.constant 34 : i32
      %min3A_355 = vector.broadcast %min3A_354 : i32 to vector<16xi32>
      %min3A_356 = arith.minsi %max3A_353, %min3A_355 : vector<16xi32>
      %gather3A_357 = tpu.vector_load_idx %arg5[%min3A_356] : memref<40xf32, #tpu.memory_space<vmem>>[vector<16xi32>], vector<16xf32>,
      %swap3A_358 = arith.constant 1 : i32
      %swap3A_359 = arith.index_cast %swap3A_358 : i32 to index
      %swap3A_360 = arith.index_cast %scan3A_248 : i32 to index
      %swap3A_361 = arith.constant 96 : index
      %swap3A_362 = tpu.vector_load %arg7[%swap3A_359, %swap3A_360, %swap3A_361] {strides = array<i32>} : memref<2x64x200xf32, #tpu.memory_space<vmem>>, vector<16xf32>,
      tpu.vector_store %arg7[%swap3A_359, %swap3A_360, %swap3A_361], %gather3A_357 {strides = array<i32>} : memref<2x64x200xf32, #tpu.memory_space<vmem>>, vector<16xf32>,
      %get3A_363 = arith.constant 1 : i32
      %get3A_364 = arith.index_cast %get3A_363 : i32 to index
      %get3A_365 = arith.index_cast %scan3A_248 : i32 to index
      %get3A_366 = arith.constant 112 : index
      %get3A_367 = tpu.vector_load %arg6[%get3A_364, %get3A_365, %get3A_366] {strides = array<i32>} : memref<2x64x200xi32, #tpu.memory_space<vmem>>, vector<16xi32>,
      %max3A_368 = arith.constant 0 : i32
      %max3A_369 = vector.broadcast %max3A_368 : i32 to vector<16xi32>
      %max3A_370 = arith.maxsi %get3A_367, %max3A_369 : vector<16xi32>
      %min3A_371 = arith.constant 34 : i32
      %min3A_372 = vector.broadcast %min3A_371 : i32 to vector<16xi32>
      %min3A_373 = arith.minsi %max3A_370, %min3A_372 : vector<16xi32>
      %gather3A_374 = tpu.vector_load_idx %arg5[%min3A_373] : memref<40xf32, #tpu.memory_space<vmem>>[vector<16xi32>], vector<16xf32>,
      %swap3A_375 = arith.constant 1 : i32
      %swap3A_376 = arith.index_cast %swap3A_375 : i32 to index
      %swap3A_377 = arith.index_cast %scan3A_248 : i32 to index
      %swap3A_378 = arith.constant 112 : index
      %swap3A_379 = tpu.vector_load %arg7[%swap3A_376, %swap3A_377, %swap3A_378] {strides = array<i32>} : memref<2x64x200xf32, #tpu.memory_space<vmem>>, vector<16xf32>,
      tpu.vector_store %arg7[%swap3A_376, %swap3A_377, %swap3A_378], %gather3A_374 {strides = array<i32>} : memref<2x64x200xf32, #tpu.memory_space<vmem>>, vector<16xf32>,
      %get3A_380 = arith.constant 1 : i32
      %get3A_381 = arith.index_cast %get3A_380 : i32 to index
      %get3A_382 = arith.index_cast %scan3A_248 : i32 to index
      %get3A_383 = arith.constant 128 : index
      %get3A_384 = tpu.vector_load %arg6[%get3A_381, %get3A_382, %get3A_383] {strides = array<i32>} : memref<2x64x200xi32, #tpu.memory_space<vmem>>, vector<16xi32>,
      %max3A_385 = arith.constant 0 : i32
      %max3A_386 = vector.broadcast %max3A_385 : i32 to vector<16xi32>
      %max3A_387 = arith.maxsi %get3A_384, %max3A_386 : vector<16xi32>
      %min3A_388 = arith.constant 34 : i32
      %min3A_389 = vector.broadcast %min3A_388 : i32 to vector<16xi32>
      %min3A_390 = arith.minsi %max3A_387, %min3A_389 : vector<16xi32>
      %gather3A_391 = tpu.vector_load_idx %arg5[%min3A_390] : memref<40xf32, #tpu.memory_space<vmem>>[vector<16xi32>], vector<16xf32>,
      %swap3A_392 = arith.constant 1 : i32
      %swap3A_393 = arith.index_cast %swap3A_392 : i32 to index
      %swap3A_394 = arith.index_cast %scan3A_248 : i32 to index
      %swap3A_395 = arith.constant 128 : index
      %swap3A_396 = tpu.vector_load %arg7[%swap3A_393, %swap3A_394, %swap3A_395] {strides = array<i32>} : memref<2x64x200xf32, #tpu.memory_space<vmem>>, vector<16xf32>,
      tpu.vector_store %arg7[%swap3A_393, %swap3A_394, %swap3A_395], %gather3A_391 {strides = array<i32>} : memref<2x64x200xf32, #tpu.memory_space<vmem>>, vector<16xf32>,
      %get3A_397 = arith.constant 1 : i32
      %get3A_398 = arith.index_cast %get3A_397 : i32 to index
      %get3A_399 = arith.index_cast %scan3A_248 : i32 to index
      %get3A_400 = arith.constant 144 : index
      %get3A_401 = tpu.vector_load %arg6[%get3A_398, %get3A_399, %get3A_400] {strides = array<i32>} : memref<2x64x200xi32, #tpu.memory_space<vmem>>, vector<16xi32>,
      %max3A_402 = arith.constant 0 : i32
      %max3A_403 = vector.broadcast %max3A_402 : i32 to vector<16xi32>
      %max3A_404 = arith.maxsi %get3A_401, %max3A_403 : vector<16xi32>
      %min3A_405 = arith.constant 34 : i32
      %min3A_406 = vector.broadcast %min3A_405 : i32 to vector<16xi32>
      %min3A_407 = arith.minsi %max3A_404, %min3A_406 : vector<16xi32>
      %gather3A_408 = tpu.vector_load_idx %arg5[%min3A_407] : memref<40xf32, #tpu.memory_space<vmem>>[vector<16xi32>], vector<16xf32>,
      %swap3A_409 = arith.constant 1 : i32
      %swap3A_410 = arith.index_cast %swap3A_409 : i32 to index
      %swap3A_411 = arith.index_cast %scan3A_248 : i32 to index
      %swap3A_412 = arith.constant 144 : index
      %swap3A_413 = tpu.vector_load %arg7[%swap3A_410, %swap3A_411, %swap3A_412] {strides = array<i32>} : memref<2x64x200xf32, #tpu.memory_space<vmem>>, vector<16xf32>,
      tpu.vector_store %arg7[%swap3A_410, %swap3A_411, %swap3A_412], %gather3A_408 {strides = array<i32>} : memref<2x64x200xf32, #tpu.memory_space<vmem>>, vector<16xf32>,
      %get3A_414 = arith.constant 1 : i32
      %get3A_415 = arith.index_cast %get3A_414 : i32 to index
      %get3A_416 = arith.index_cast %scan3A_248 : i32 to index
      %get3A_417 = arith.constant 160 : index
      %get3A_418 = tpu.vector_load %arg6[%get3A_415, %get3A_416, %get3A_417] {strides = array<i32>} : memref<2x64x200xi32, #tpu.memory_space<vmem>>, vector<16xi32>,
      %max3A_419 = arith.constant 0 : i32
      %max3A_420 = vector.broadcast %max3A_419 : i32 to vector<16xi32>
      %max3A_421 = arith.maxsi %get3A_418, %max3A_420 : vector<16xi32>
      %min3A_422 = arith.constant 34 : i32
      %min3A_423 = vector.broadcast %min3A_422 : i32 to vector<16xi32>
      %min3A_424 = arith.minsi %max3A_421, %min3A_423 : vector<16xi32>
      %gather3A_425 = tpu.vector_load_idx %arg5[%min3A_424] : memref<40xf32, #tpu.memory_space<vmem>>[vector<16xi32>], vector<16xf32>,
      %swap3A_426 = arith.constant 1 : i32
      %swap3A_427 = arith.index_cast %swap3A_426 : i32 to index
      %swap3A_428 = arith.index_cast %scan3A_248 : i32 to index
      %swap3A_429 = arith.constant 160 : index
      %swap3A_430 = tpu.vector_load %arg7[%swap3A_427, %swap3A_428, %swap3A_429] {strides = array<i32>} : memref<2x64x200xf32, #tpu.memory_space<vmem>>, vector<16xf32>,
      tpu.vector_store %arg7[%swap3A_427, %swap3A_428, %swap3A_429], %gather3A_425 {strides = array<i32>} : memref<2x64x200xf32, #tpu.memory_space<vmem>>, vector<16xf32>,
      %get3A_431 = arith.constant 1 : i32
      %get3A_432 = arith.index_cast %get3A_431 : i32 to index
      %get3A_433 = arith.index_cast %scan3A_248 : i32 to index
      %get3A_434 = arith.constant 176 : index
      %get3A_435 = tpu.vector_load %arg6[%get3A_432, %get3A_433, %get3A_434] {strides = array<i32>} : memref<2x64x200xi32, #tpu.memory_space<vmem>>, vector<16xi32>,
      %max3A_436 = arith.constant 0 : i32
      %max3A_437 = vector.broadcast %max3A_436 : i32 to vector<16xi32>
      %max3A_438 = arith.maxsi %get3A_435, %max3A_437 : vector<16xi32>
      %min3A_439 = arith.constant 34 : i32
      %min3A_440 = vector.broadcast %min3A_439 : i32 to vector<16xi32>
      %min3A_441 = arith.minsi %max3A_438, %min3A_440 : vector<16xi32>
      %gather3A_442 = tpu.vector_load_idx %arg5[%min3A_441] : memref<40xf32, #tpu.memory_space<vmem>>[vector<16xi32>], vector<16xf32>,
      %swap3A_443 = arith.constant 1 : i32
      %swap3A_444 = arith.index_cast %swap3A_443 : i32 to index
      %swap3A_445 = arith.index_cast %scan3A_248 : i32 to index
      %swap3A_446 = arith.constant 176 : index
      %swap3A_447 = tpu.vector_load %arg7[%swap3A_444, %swap3A_445, %swap3A_446] {strides = array<i32>} : memref<2x64x200xf32, #tpu.memory_space<vmem>>, vector<16xf32>,
      tpu.vector_store %arg7[%swap3A_444, %swap3A_445, %swap3A_446], %gather3A_442 {strides = array<i32>} : memref<2x64x200xf32, #tpu.memory_space<vmem>>, vector<16xf32>,
      %get3A_448 = arith.constant 1 : i32
      %get3A_449 = arith.index_cast %get3A_448 : i32 to index
      %get3A_450 = arith.index_cast %scan3A_248 : i32 to index
      %get3A_451 = arith.constant 184 : index
      %get3A_452 = tpu.vector_load %arg6[%get3A_449, %get3A_450, %get3A_451] {strides = array<i32>} : memref<2x64x200xi32, #tpu.memory_space<vmem>>, vector<16xi32>,
      %max3A_453 = arith.constant 0 : i32
      %max3A_454 = vector.broadcast %max3A_453 : i32 to vector<16xi32>
      %max3A_455 = arith.maxsi %get3A_452, %max3A_454 : vector<16xi32>
      %min3A_456 = arith.constant 34 : i32
      %min3A_457 = vector.broadcast %min3A_456 : i32 to vector<16xi32>
      %min3A_458 = arith.minsi %max3A_455, %min3A_457 : vector<16xi32>
      %gather3A_459 = tpu.vector_load_idx %arg5[%min3A_458] : memref<40xf32, #tpu.memory_space<vmem>>[vector<16xi32>], vector<16xf32>,
      %swap3A_460 = arith.constant 1 : i32
      %swap3A_461 = arith.index_cast %swap3A_460 : i32 to index
      %swap3A_462 = arith.index_cast %scan3A_248 : i32 to index
      %swap3A_463 = arith.constant 184 : index
      %swap3A_464 = tpu.vector_load %arg7[%swap3A_461, %swap3A_462, %swap3A_463] {strides = array<i32>} : memref<2x64x200xf32, #tpu.memory_space<vmem>>, vector<16xf32>,
      tpu.vector_store %arg7[%swap3A_461, %swap3A_462, %swap3A_463], %gather3A_459 {strides = array<i32>} : memref<2x64x200xf32, #tpu.memory_space<vmem>>, vector<16xf32>,
    }
    %scan3A_97 = arith.constant 64 : i32
    %add3A_98 = arith.constant 64 : i32
    %add3A_99 = arith.addi %mul3A_2, %add3A_98 : i32
    %dma_start3A_100 = arith.constant 1 : i32
    %dma_start3A_101 = arith.constant 0 : i32
    %dma_start3A_102 = arith.constant 0 : i32
    %dma_start3A_103 = tpu.memref_slice %arg7[%dma_start3A_100, %dma_start3A_101, %dma_start3A_102] : memref<2x64x200xf32, #tpu.memory_space<vmem>> -> memref<1x64x200xf32, #tpu.memory_space<vmem>>
    %dma_start3A_104 = tpu.memref_squeeze %dma_start3A_103 : memref<1x64x200xf32, #tpu.memory_space<vmem>> -> memref<64x200xf32, #tpu.memory_space<vmem>>
    %dma_start3A_105 = arith.constant 0 : i32
    %dma_start3A_106 = tpu.memref_slice %arg4[%add3A_99, %dma_start3A_105] : memref<8192x200xf32, #tpu.memory_space<hbm>> -> memref<64x200xf32, #tpu.memory_space<hbm>>
    %dma_start3A_107 = arith.constant 0 : i32
    %dma_start3A_108 = tpu.memref_slice %arg4[%add3A_99, %dma_start3A_107] : memref<8192x200xf32, #tpu.memory_space<hbm>> -> memref<64x200xf32, #tpu.memory_space<hbm>>
    %dma_start3A_109 = arith.constant 0 : i32
    %dma_start3A_110 = arith.constant 0 : i32
    %dma_start3A_111 = tpu.memref_slice %arg7[%dma_start3A_100, %dma_start3A_109, %dma_start3A_110] : memref<2x64x200xf32, #tpu.memory_space<vmem>> -> memref<1x64x200xf32, #tpu.memory_space<vmem>>
    %dma_start3A_112 = tpu.memref_squeeze %dma_start3A_111 : memref<1x64x200xf32, #tpu.memory_space<vmem>> -> memref<64x200xf32, #tpu.memory_space<vmem>>
    tpu.enqueue_dma source(%dma_start3A_112 : memref<64x200xf32, #tpu.memory_space<vmem>>) target(%dma_start3A_108 : memref<64x200xf32, #tpu.memory_space<hbm>>) target_semaphore(%arg11 : memref<!tpu.dma_semaphore, #tpu.memory_space<semaphore_mem>>)
    %dma_wait3A_113 = arith.constant 0 : i32
    %dma_wait3A_114 = arith.constant 0 : i32
    %dma_wait3A_115 = arith.constant 0 : i32
    %dma_wait3A_116 = tpu.memref_slice %arg6[%dma_wait3A_113, %dma_wait3A_114, %dma_wait3A_115] : memref<2x64x200xi32, #tpu.memory_space<vmem>> -> memref<1x64x200xi32, #tpu.memory_space<vmem>>
    %dma_wait3A_117 = tpu.memref_squeeze %dma_wait3A_116 : memref<1x64x200xi32, #tpu.memory_space<vmem>> -> memref<64x200xi32, #tpu.memory_space<vmem>>
    %dma_wait3A_118 = arith.constant 0 : i32
    %dma_wait3A_119 = tpu.memref_slice %arg2[%add3A_78, %dma_wait3A_118] : memref<8192x200xi32, #tpu.memory_space<hbm>> -> memref<64x200xi32, #tpu.memory_space<hbm>>
    %dma_wait3A_120 = arith.constant 0 : i32
    %dma_wait3A_121 = arith.constant 0 : i32
    %dma_wait3A_122 = tpu.memref_slice %arg6[%dma_wait3A_113, %dma_wait3A_120, %dma_wait3A_121] : memref<2x64x200xi32, #tpu.memory_space<vmem>> -> memref<1x64x200xi32, #tpu.memory_space<vmem>>
    %dma_wait3A_123 = tpu.memref_squeeze %dma_wait3A_122 : memref<1x64x200xi32, #tpu.memory_space<vmem>> -> memref<64x200xi32, #tpu.memory_space<vmem>>
    %dma_wait3A_124 = arith.constant 0 : i32
    %dma_wait3A_125 = tpu.memref_slice %arg2[%add3A_78, %dma_wait3A_124] : memref<8192x200xi32, #tpu.memory_space<hbm>> -> memref<64x200xi32, #tpu.memory_space<hbm>>
    tpu.wait_dma2 semaphore(%arg8 : memref<!tpu.dma_semaphore, #tpu.memory_space<semaphore_mem>>) src(%dma_wait3A_125 : memref<64x200xi32, #tpu.memory_space<hbm>>) dst(%dma_wait3A_123 : memref<64x200xi32, #tpu.memory_space<vmem>>)
    %add3A_126 = arith.constant 192 : i32
    %add3A_127 = arith.addi %mul3A_2, %add3A_126 : i32
    %dma_start3A_128 = arith.constant 1 : i32
    %dma_start3A_129 = arith.constant 0 : i32
    %dma_start3A_130 = arith.constant 0 : i32
    %dma_start3A_131 = tpu.memref_slice %arg6[%dma_start3A_128, %dma_start3A_129, %dma_start3A_130] : memref<2x64x200xi32, #tpu.memory_space<vmem>> -> memref<1x64x200xi32, #tpu.memory_space<vmem>>
    %dma_start3A_132 = tpu.memref_squeeze %dma_start3A_131 : memref<1x64x200xi32, #tpu.memory_space<vmem>> -> memref<64x200xi32, #tpu.memory_space<vmem>>
    %dma_start3A_133 = arith.constant 0 : i32
    %dma_start3A_134 = tpu.memref_slice %arg2[%add3A_127, %dma_start3A_133] : memref<8192x200xi32, #tpu.memory_space<hbm>> -> memref<64x200xi32, #tpu.memory_space<hbm>>
    %dma_start3A_135 = arith.constant 0 : i32
    %dma_start3A_136 = arith.constant 0 : i32
    %dma_start3A_137 = tpu.memref_slice %arg6[%dma_start3A_128, %dma_start3A_135, %dma_start3A_136] : memref<2x64x200xi32, #tpu.memory_space<vmem>> -> memref<1x64x200xi32, #tpu.memory_space<vmem>>
    %dma_start3A_138 = tpu.memref_squeeze %dma_start3A_137 : memref<1x64x200xi32, #tpu.memory_space<vmem>> -> memref<64x200xi32, #tpu.memory_space<vmem>>
    %dma_start3A_139 = arith.constant 0 : i32
    %dma_start3A_140 = tpu.memref_slice %arg2[%add3A_127, %dma_start3A_139] : memref<8192x200xi32, #tpu.memory_space<hbm>> -> memref<64x200xi32, #tpu.memory_space<hbm>>
    tpu.enqueue_dma source(%dma_start3A_140 : memref<64x200xi32, #tpu.memory_space<hbm>>) target(%dma_start3A_138 : memref<64x200xi32, #tpu.memory_space<vmem>>) target_semaphore(%arg9 : memref<!tpu.dma_semaphore, #tpu.memory_space<semaphore_mem>>)
    %dma_wait3A_141 = arith.constant 0 : i32
    %dma_wait3A_142 = arith.constant 0 : i32
    %dma_wait3A_143 = arith.constant 0 : i32
    %dma_wait3A_144 = tpu.memref_slice %arg7[%dma_wait3A_141, %dma_wait3A_142, %dma_wait3A_143] : memref<2x64x200xf32, #tpu.memory_space<vmem>> -> memref<1x64x200xf32, #tpu.memory_space<vmem>>
    %dma_wait3A_145 = tpu.memref_squeeze %dma_wait3A_144 : memref<1x64x200xf32, #tpu.memory_space<vmem>> -> memref<64x200xf32, #tpu.memory_space<vmem>>
    %dma_wait3A_146 = arith.constant 0 : i32
    %dma_wait3A_147 = tpu.memref_slice %arg4[%add3A_50, %dma_wait3A_146] : memref<8192x200xf32, #tpu.memory_space<hbm>> -> memref<64x200xf32, #tpu.memory_space<hbm>>
    %dma_wait3A_148 = arith.constant 0 : i32
    %dma_wait3A_149 = tpu.memref_slice %arg4[%add3A_50, %dma_wait3A_148] : memref<8192x200xf32, #tpu.memory_space<hbm>> -> memref<64x200xf32, #tpu.memory_space<hbm>>
    %dma_wait3A_150 = arith.constant 0 : i32
    %dma_wait3A_151 = arith.constant 0 : i32
    %dma_wait3A_152 = tpu.memref_slice %arg7[%dma_wait3A_141, %dma_wait3A_150, %dma_wait3A_151] : memref<2x64x200xf32, #tpu.memory_space<vmem>> -> memref<1x64x200xf32, #tpu.memory_space<vmem>>
    %dma_wait3A_153 = tpu.memref_squeeze %dma_wait3A_152 : memref<1x64x200xf32, #tpu.memory_space<vmem>> -> memref<64x200xf32, #tpu.memory_space<vmem>>
    tpu.wait_dma2 semaphore(%arg10 : memref<!tpu.dma_semaphore, #tpu.memory_space<semaphore_mem>>) src(%dma_wait3A_153 : memref<64x200xf32, #tpu.memory_space<vmem>>) dst(%dma_wait3A_149 : memref<64x200xf32, #tpu.memory_space<hbm>>)
    %scan3A_154 = arith.constant 0 : i32
    %scan3A_155 = arith.constant 0 : i32
    %scan3A_156 = arith.constant 64 : i32
    %scan3A_157 = arith.addi %scan3A_155, %scan3A_156 : i32
    %scan3A_158 = arith.constant 1 : i32
    scf.for %scan3A_248 = %scan3A_155 to %scan3A_157 step %scan3A_158  : i32 {
      %get3A = arith.constant 0 : i32
      %get3A_249 = arith.index_cast %get3A : i32 to index
      %get3A_250 = arith.index_cast %scan3A_248 : i32 to index
      %get3A_251 = arith.constant 0 : index
      %get3A_252 = tpu.vector_load %arg6[%get3A_249, %get3A_250, %get3A_251] {strides = array<i32>} : memref<2x64x200xi32, #tpu.memory_space<vmem>>, vector<16xi32>,
      %max3A = arith.constant 0 : i32
      %max3A_253 = vector.broadcast %max3A : i32 to vector<16xi32>
      %max3A_254 = arith.maxsi %get3A_252, %max3A_253 : vector<16xi32>
      %min3A = arith.constant 34 : i32
      %min3A_255 = vector.broadcast %min3A : i32 to vector<16xi32>
      %min3A_256 = arith.minsi %max3A_254, %min3A_255 : vector<16xi32>
      %gather3A = tpu.vector_load_idx %arg5[%min3A_256] : memref<40xf32, #tpu.memory_space<vmem>>[vector<16xi32>], vector<16xf32>,
      %swap3A = arith.constant 0 : i32
      %swap3A_257 = arith.index_cast %swap3A : i32 to index
      %swap3A_258 = arith.index_cast %scan3A_248 : i32 to index
      %swap3A_259 = arith.constant 0 : index
      %swap3A_260 = tpu.vector_load %arg7[%swap3A_257, %swap3A_258, %swap3A_259] {strides = array<i32>} : memref<2x64x200xf32, #tpu.memory_space<vmem>>, vector<16xf32>,
      tpu.vector_store %arg7[%swap3A_257, %swap3A_258, %swap3A_259], %gather3A {strides = array<i32>} : memref<2x64x200xf32, #tpu.memory_space<vmem>>, vector<16xf32>,
      %get3A_261 = arith.constant 0 : i32
      %get3A_262 = arith.index_cast %get3A_261 : i32 to index
      %get3A_263 = arith.index_cast %scan3A_248 : i32 to index
      %get3A_264 = arith.constant 16 : index
      %get3A_265 = tpu.vector_load %arg6[%get3A_262, %get3A_263, %get3A_264] {strides = array<i32>} : memref<2x64x200xi32, #tpu.memory_space<vmem>>, vector<16xi32>,
      %max3A_266 = arith.constant 0 : i32
      %max3A_267 = vector.broadcast %max3A_266 : i32 to vector<16xi32>
      %max3A_268 = arith.maxsi %get3A_265, %max3A_267 : vector<16xi32>
      %min3A_269 = arith.constant 34 : i32
      %min3A_270 = vector.broadcast %min3A_269 : i32 to vector<16xi32>
      %min3A_271 = arith.minsi %max3A_268, %min3A_270 : vector<16xi32>
      %gather3A_272 = tpu.vector_load_idx %arg5[%min3A_271] : memref<40xf32, #tpu.memory_space<vmem>>[vector<16xi32>], vector<16xf32>,
      %swap3A_273 = arith.constant 0 : i32
      %swap3A_274 = arith.index_cast %swap3A_273 : i32 to index
      %swap3A_275 = arith.index_cast %scan3A_248 : i32 to index
      %swap3A_276 = arith.constant 16 : index
      %swap3A_277 = tpu.vector_load %arg7[%swap3A_274, %swap3A_275, %swap3A_276] {strides = array<i32>} : memref<2x64x200xf32, #tpu.memory_space<vmem>>, vector<16xf32>,
      tpu.vector_store %arg7[%swap3A_274, %swap3A_275, %swap3A_276], %gather3A_272 {strides = array<i32>} : memref<2x64x200xf32, #tpu.memory_space<vmem>>, vector<16xf32>,
      %get3A_278 = arith.constant 0 : i32
      %get3A_279 = arith.index_cast %get3A_278 : i32 to index
      %get3A_280 = arith.index_cast %scan3A_248 : i32 to index
      %get3A_281 = arith.constant 32 : index
      %get3A_282 = tpu.vector_load %arg6[%get3A_279, %get3A_280, %get3A_281] {strides = array<i32>} : memref<2x64x200xi32, #tpu.memory_space<vmem>>, vector<16xi32>,
      %max3A_283 = arith.constant 0 : i32
      %max3A_284 = vector.broadcast %max3A_283 : i32 to vector<16xi32>
      %max3A_285 = arith.maxsi %get3A_282, %max3A_284 : vector<16xi32>
      %min3A_286 = arith.constant 34 : i32
      %min3A_287 = vector.broadcast %min3A_286 : i32 to vector<16xi32>
      %min3A_288 = arith.minsi %max3A_285, %min3A_287 : vector<16xi32>
      %gather3A_289 = tpu.vector_load_idx %arg5[%min3A_288] : memref<40xf32, #tpu.memory_space<vmem>>[vector<16xi32>], vector<16xf32>,
      %swap3A_290 = arith.constant 0 : i32
      %swap3A_291 = arith.index_cast %swap3A_290 : i32 to index
      %swap3A_292 = arith.index_cast %scan3A_248 : i32 to index
      %swap3A_293 = arith.constant 32 : index
      %swap3A_294 = tpu.vector_load %arg7[%swap3A_291, %swap3A_292, %swap3A_293] {strides = array<i32>} : memref<2x64x200xf32, #tpu.memory_space<vmem>>, vector<16xf32>,
      tpu.vector_store %arg7[%swap3A_291, %swap3A_292, %swap3A_293], %gather3A_289 {strides = array<i32>} : memref<2x64x200xf32, #tpu.memory_space<vmem>>, vector<16xf32>,
      %get3A_295 = arith.constant 0 : i32
      %get3A_296 = arith.index_cast %get3A_295 : i32 to index
      %get3A_297 = arith.index_cast %scan3A_248 : i32 to index
      %get3A_298 = arith.constant 48 : index
      %get3A_299 = tpu.vector_load %arg6[%get3A_296, %get3A_297, %get3A_298] {strides = array<i32>} : memref<2x64x200xi32, #tpu.memory_space<vmem>>, vector<16xi32>,
      %max3A_300 = arith.constant 0 : i32
      %max3A_301 = vector.broadcast %max3A_300 : i32 to vector<16xi32>
      %max3A_302 = arith.maxsi %get3A_299, %max3A_301 : vector<16xi32>
      %min3A_303 = arith.constant 34 : i32
      %min3A_304 = vector.broadcast %min3A_303 : i32 to vector<16xi32>
      %min3A_305 = arith.minsi %max3A_302, %min3A_304 : vector<16xi32>
      %gather3A_306 = tpu.vector_load_idx %arg5[%min3A_305] : memref<40xf32, #tpu.memory_space<vmem>>[vector<16xi32>], vector<16xf32>,
      %swap3A_307 = arith.constant 0 : i32
      %swap3A_308 = arith.index_cast %swap3A_307 : i32 to index
      %swap3A_309 = arith.index_cast %scan3A_248 : i32 to index
      %swap3A_310 = arith.constant 48 : index
      %swap3A_311 = tpu.vector_load %arg7[%swap3A_308, %swap3A_309, %swap3A_310] {strides = array<i32>} : memref<2x64x200xf32, #tpu.memory_space<vmem>>, vector<16xf32>,
      tpu.vector_store %arg7[%swap3A_308, %swap3A_309, %swap3A_310], %gather3A_306 {strides = array<i32>} : memref<2x64x200xf32, #tpu.memory_space<vmem>>, vector<16xf32>,
      %get3A_312 = arith.constant 0 : i32
      %get3A_313 = arith.index_cast %get3A_312 : i32 to index
      %get3A_314 = arith.index_cast %scan3A_248 : i32 to index
      %get3A_315 = arith.constant 64 : index
      %get3A_316 = tpu.vector_load %arg6[%get3A_313, %get3A_314, %get3A_315] {strides = array<i32>} : memref<2x64x200xi32, #tpu.memory_space<vmem>>, vector<16xi32>,
      %max3A_317 = arith.constant 0 : i32
      %max3A_318 = vector.broadcast %max3A_317 : i32 to vector<16xi32>
      %max3A_319 = arith.maxsi %get3A_316, %max3A_318 : vector<16xi32>
      %min3A_320 = arith.constant 34 : i32
      %min3A_321 = vector.broadcast %min3A_320 : i32 to vector<16xi32>
      %min3A_322 = arith.minsi %max3A_319, %min3A_321 : vector<16xi32>
      %gather3A_323 = tpu.vector_load_idx %arg5[%min3A_322] : memref<40xf32, #tpu.memory_space<vmem>>[vector<16xi32>], vector<16xf32>,
      %swap3A_324 = arith.constant 0 : i32
      %swap3A_325 = arith.index_cast %swap3A_324 : i32 to index
      %swap3A_326 = arith.index_cast %scan3A_248 : i32 to index
      %swap3A_327 = arith.constant 64 : index
      %swap3A_328 = tpu.vector_load %arg7[%swap3A_325, %swap3A_326, %swap3A_327] {strides = array<i32>} : memref<2x64x200xf32, #tpu.memory_space<vmem>>, vector<16xf32>,
      tpu.vector_store %arg7[%swap3A_325, %swap3A_326, %swap3A_327], %gather3A_323 {strides = array<i32>} : memref<2x64x200xf32, #tpu.memory_space<vmem>>, vector<16xf32>,
      %get3A_329 = arith.constant 0 : i32
      %get3A_330 = arith.index_cast %get3A_329 : i32 to index
      %get3A_331 = arith.index_cast %scan3A_248 : i32 to index
      %get3A_332 = arith.constant 80 : index
      %get3A_333 = tpu.vector_load %arg6[%get3A_330, %get3A_331, %get3A_332] {strides = array<i32>} : memref<2x64x200xi32, #tpu.memory_space<vmem>>, vector<16xi32>,
      %max3A_334 = arith.constant 0 : i32
      %max3A_335 = vector.broadcast %max3A_334 : i32 to vector<16xi32>
      %max3A_336 = arith.maxsi %get3A_333, %max3A_335 : vector<16xi32>
      %min3A_337 = arith.constant 34 : i32
      %min3A_338 = vector.broadcast %min3A_337 : i32 to vector<16xi32>
      %min3A_339 = arith.minsi %max3A_336, %min3A_338 : vector<16xi32>
      %gather3A_340 = tpu.vector_load_idx %arg5[%min3A_339] : memref<40xf32, #tpu.memory_space<vmem>>[vector<16xi32>], vector<16xf32>,
      %swap3A_341 = arith.constant 0 : i32
      %swap3A_342 = arith.index_cast %swap3A_341 : i32 to index
      %swap3A_343 = arith.index_cast %scan3A_248 : i32 to index
      %swap3A_344 = arith.constant 80 : index
      %swap3A_345 = tpu.vector_load %arg7[%swap3A_342, %swap3A_343, %swap3A_344] {strides = array<i32>} : memref<2x64x200xf32, #tpu.memory_space<vmem>>, vector<16xf32>,
      tpu.vector_store %arg7[%swap3A_342, %swap3A_343, %swap3A_344], %gather3A_340 {strides = array<i32>} : memref<2x64x200xf32, #tpu.memory_space<vmem>>, vector<16xf32>,
      %get3A_346 = arith.constant 0 : i32
      %get3A_347 = arith.index_cast %get3A_346 : i32 to index
      %get3A_348 = arith.index_cast %scan3A_248 : i32 to index
      %get3A_349 = arith.constant 96 : index
      %get3A_350 = tpu.vector_load %arg6[%get3A_347, %get3A_348, %get3A_349] {strides = array<i32>} : memref<2x64x200xi32, #tpu.memory_space<vmem>>, vector<16xi32>,
      %max3A_351 = arith.constant 0 : i32
      %max3A_352 = vector.broadcast %max3A_351 : i32 to vector<16xi32>
      %max3A_353 = arith.maxsi %get3A_350, %max3A_352 : vector<16xi32>
      %min3A_354 = arith.constant 34 : i32
      %min3A_355 = vector.broadcast %min3A_354 : i32 to vector<16xi32>
      %min3A_356 = arith.minsi %max3A_353, %min3A_355 : vector<16xi32>
      %gather3A_357 = tpu.vector_load_idx %arg5[%min3A_356] : memref<40xf32, #tpu.memory_space<vmem>>[vector<16xi32>], vector<16xf32>,
      %swap3A_358 = arith.constant 0 : i32
      %swap3A_359 = arith.index_cast %swap3A_358 : i32 to index
      %swap3A_360 = arith.index_cast %scan3A_248 : i32 to index
      %swap3A_361 = arith.constant 96 : index
      %swap3A_362 = tpu.vector_load %arg7[%swap3A_359, %swap3A_360, %swap3A_361] {strides = array<i32>} : memref<2x64x200xf32, #tpu.memory_space<vmem>>, vector<16xf32>,
      tpu.vector_store %arg7[%swap3A_359, %swap3A_360, %swap3A_361], %gather3A_357 {strides = array<i32>} : memref<2x64x200xf32, #tpu.memory_space<vmem>>, vector<16xf32>,
      %get3A_363 = arith.constant 0 : i32
      %get3A_364 = arith.index_cast %get3A_363 : i32 to index
      %get3A_365 = arith.index_cast %scan3A_248 : i32 to index
      %get3A_366 = arith.constant 112 : index
      %get3A_367 = tpu.vector_load %arg6[%get3A_364, %get3A_365, %get3A_366] {strides = array<i32>} : memref<2x64x200xi32, #tpu.memory_space<vmem>>, vector<16xi32>,
      %max3A_368 = arith.constant 0 : i32
      %max3A_369 = vector.broadcast %max3A_368 : i32 to vector<16xi32>
      %max3A_370 = arith.maxsi %get3A_367, %max3A_369 : vector<16xi32>
      %min3A_371 = arith.constant 34 : i32
      %min3A_372 = vector.broadcast %min3A_371 : i32 to vector<16xi32>
      %min3A_373 = arith.minsi %max3A_370, %min3A_372 : vector<16xi32>
      %gather3A_374 = tpu.vector_load_idx %arg5[%min3A_373] : memref<40xf32, #tpu.memory_space<vmem>>[vector<16xi32>], vector<16xf32>,
      %swap3A_375 = arith.constant 0 : i32
      %swap3A_376 = arith.index_cast %swap3A_375 : i32 to index
      %swap3A_377 = arith.index_cast %scan3A_248 : i32 to index
      %swap3A_378 = arith.constant 112 : index
      %swap3A_379 = tpu.vector_load %arg7[%swap3A_376, %swap3A_377, %swap3A_378] {strides = array<i32>} : memref<2x64x200xf32, #tpu.memory_space<vmem>>, vector<16xf32>,
      tpu.vector_store %arg7[%swap3A_376, %swap3A_377, %swap3A_378], %gather3A_374 {strides = array<i32>} : memref<2x64x200xf32, #tpu.memory_space<vmem>>, vector<16xf32>,
      %get3A_380 = arith.constant 0 : i32
      %get3A_381 = arith.index_cast %get3A_380 : i32 to index
      %get3A_382 = arith.index_cast %scan3A_248 : i32 to index
      %get3A_383 = arith.constant 128 : index
      %get3A_384 = tpu.vector_load %arg6[%get3A_381, %get3A_382, %get3A_383] {strides = array<i32>} : memref<2x64x200xi32, #tpu.memory_space<vmem>>, vector<16xi32>,
      %max3A_385 = arith.constant 0 : i32
      %max3A_386 = vector.broadcast %max3A_385 : i32 to vector<16xi32>
      %max3A_387 = arith.maxsi %get3A_384, %max3A_386 : vector<16xi32>
      %min3A_388 = arith.constant 34 : i32
      %min3A_389 = vector.broadcast %min3A_388 : i32 to vector<16xi32>
      %min3A_390 = arith.minsi %max3A_387, %min3A_389 : vector<16xi32>
      %gather3A_391 = tpu.vector_load_idx %arg5[%min3A_390] : memref<40xf32, #tpu.memory_space<vmem>>[vector<16xi32>], vector<16xf32>,
      %swap3A_392 = arith.constant 0 : i32
      %swap3A_393 = arith.index_cast %swap3A_392 : i32 to index
      %swap3A_394 = arith.index_cast %scan3A_248 : i32 to index
      %swap3A_395 = arith.constant 128 : index
      %swap3A_396 = tpu.vector_load %arg7[%swap3A_393, %swap3A_394, %swap3A_395] {strides = array<i32>} : memref<2x64x200xf32, #tpu.memory_space<vmem>>, vector<16xf32>,
      tpu.vector_store %arg7[%swap3A_393, %swap3A_394, %swap3A_395], %gather3A_391 {strides = array<i32>} : memref<2x64x200xf32, #tpu.memory_space<vmem>>, vector<16xf32>,
      %get3A_397 = arith.constant 0 : i32
      %get3A_398 = arith.index_cast %get3A_397 : i32 to index
      %get3A_399 = arith.index_cast %scan3A_248 : i32 to index
      %get3A_400 = arith.constant 144 : index
      %get3A_401 = tpu.vector_load %arg6[%get3A_398, %get3A_399, %get3A_400] {strides = array<i32>} : memref<2x64x200xi32, #tpu.memory_space<vmem>>, vector<16xi32>,
      %max3A_402 = arith.constant 0 : i32
      %max3A_403 = vector.broadcast %max3A_402 : i32 to vector<16xi32>
      %max3A_404 = arith.maxsi %get3A_401, %max3A_403 : vector<16xi32>
      %min3A_405 = arith.constant 34 : i32
      %min3A_406 = vector.broadcast %min3A_405 : i32 to vector<16xi32>
      %min3A_407 = arith.minsi %max3A_404, %min3A_406 : vector<16xi32>
      %gather3A_408 = tpu.vector_load_idx %arg5[%min3A_407] : memref<40xf32, #tpu.memory_space<vmem>>[vector<16xi32>], vector<16xf32>,
      %swap3A_409 = arith.constant 0 : i32
      %swap3A_410 = arith.index_cast %swap3A_409 : i32 to index
      %swap3A_411 = arith.index_cast %scan3A_248 : i32 to index
      %swap3A_412 = arith.constant 144 : index
      %swap3A_413 = tpu.vector_load %arg7[%swap3A_410, %swap3A_411, %swap3A_412] {strides = array<i32>} : memref<2x64x200xf32, #tpu.memory_space<vmem>>, vector<16xf32>,
      tpu.vector_store %arg7[%swap3A_410, %swap3A_411, %swap3A_412], %gather3A_408 {strides = array<i32>} : memref<2x64x200xf32, #tpu.memory_space<vmem>>, vector<16xf32>,
      %get3A_414 = arith.constant 0 : i32
      %get3A_415 = arith.index_cast %get3A_414 : i32 to index
      %get3A_416 = arith.index_cast %scan3A_248 : i32 to index
      %get3A_417 = arith.constant 160 : index
      %get3A_418 = tpu.vector_load %arg6[%get3A_415, %get3A_416, %get3A_417] {strides = array<i32>} : memref<2x64x200xi32, #tpu.memory_space<vmem>>, vector<16xi32>,
      %max3A_419 = arith.constant 0 : i32
      %max3A_420 = vector.broadcast %max3A_419 : i32 to vector<16xi32>
      %max3A_421 = arith.maxsi %get3A_418, %max3A_420 : vector<16xi32>
      %min3A_422 = arith.constant 34 : i32
      %min3A_423 = vector.broadcast %min3A_422 : i32 to vector<16xi32>
      %min3A_424 = arith.minsi %max3A_421, %min3A_423 : vector<16xi32>
      %gather3A_425 = tpu.vector_load_idx %arg5[%min3A_424] : memref<40xf32, #tpu.memory_space<vmem>>[vector<16xi32>], vector<16xf32>,
      %swap3A_426 = arith.constant 0 : i32
      %swap3A_427 = arith.index_cast %swap3A_426 : i32 to index
      %swap3A_428 = arith.index_cast %scan3A_248 : i32 to index
      %swap3A_429 = arith.constant 160 : index
      %swap3A_430 = tpu.vector_load %arg7[%swap3A_427, %swap3A_428, %swap3A_429] {strides = array<i32>} : memref<2x64x200xf32, #tpu.memory_space<vmem>>, vector<16xf32>,
      tpu.vector_store %arg7[%swap3A_427, %swap3A_428, %swap3A_429], %gather3A_425 {strides = array<i32>} : memref<2x64x200xf32, #tpu.memory_space<vmem>>, vector<16xf32>,
      %get3A_431 = arith.constant 0 : i32
      %get3A_432 = arith.index_cast %get3A_431 : i32 to index
      %get3A_433 = arith.index_cast %scan3A_248 : i32 to index
      %get3A_434 = arith.constant 176 : index
      %get3A_435 = tpu.vector_load %arg6[%get3A_432, %get3A_433, %get3A_434] {strides = array<i32>} : memref<2x64x200xi32, #tpu.memory_space<vmem>>, vector<16xi32>,
      %max3A_436 = arith.constant 0 : i32
      %max3A_437 = vector.broadcast %max3A_436 : i32 to vector<16xi32>
      %max3A_438 = arith.maxsi %get3A_435, %max3A_437 : vector<16xi32>
      %min3A_439 = arith.constant 34 : i32
      %min3A_440 = vector.broadcast %min3A_439 : i32 to vector<16xi32>
      %min3A_441 = arith.minsi %max3A_438, %min3A_440 : vector<16xi32>
      %gather3A_442 = tpu.vector_load_idx %arg5[%min3A_441] : memref<40xf32, #tpu.memory_space<vmem>>[vector<16xi32>], vector<16xf32>,
      %swap3A_443 = arith.constant 0 : i32
      %swap3A_444 = arith.index_cast %swap3A_443 : i32 to index
      %swap3A_445 = arith.index_cast %scan3A_248 : i32 to index
      %swap3A_446 = arith.constant 176 : index
      %swap3A_447 = tpu.vector_load %arg7[%swap3A_444, %swap3A_445, %swap3A_446] {strides = array<i32>} : memref<2x64x200xf32, #tpu.memory_space<vmem>>, vector<16xf32>,
      tpu.vector_store %arg7[%swap3A_444, %swap3A_445, %swap3A_446], %gather3A_442 {strides = array<i32>} : memref<2x64x200xf32, #tpu.memory_space<vmem>>, vector<16xf32>,
      %get3A_448 = arith.constant 0 : i32
      %get3A_449 = arith.index_cast %get3A_448 : i32 to index
      %get3A_450 = arith.index_cast %scan3A_248 : i32 to index
      %get3A_451 = arith.constant 184 : index
      %get3A_452 = tpu.vector_load %arg6[%get3A_449, %get3A_450, %get3A_451] {strides = array<i32>} : memref<2x64x200xi32, #tpu.memory_space<vmem>>, vector<16xi32>,
      %max3A_453 = arith.constant 0 : i32
      %max3A_454 = vector.broadcast %max3A_453 : i32 to vector<16xi32>
      %max3A_455 = arith.maxsi %get3A_452, %max3A_454 : vector<16xi32>
      %min3A_456 = arith.constant 34 : i32
      %min3A_457 = vector.broadcast %min3A_456 : i32 to vector<16xi32>
      %min3A_458 = arith.minsi %max3A_455, %min3A_457 : vector<16xi32>
      %gather3A_459 = tpu.vector_load_idx %arg5[%min3A_458] : memref<40xf32, #tpu.memory_space<vmem>>[vector<16xi32>], vector<16xf32>,
      %swap3A_460 = arith.constant 0 : i32
      %swap3A_461 = arith.index_cast %swap3A_460 : i32 to index
      %swap3A_462 = arith.index_cast %scan3A_248 : i32 to index
      %swap3A_463 = arith.constant 184 : index
      %swap3A_464 = tpu.vector_load %arg7[%swap3A_461, %swap3A_462, %swap3A_463] {strides = array<i32>} : memref<2x64x200xf32, #tpu.memory_space<vmem>>, vector<16xf32>,
      tpu.vector_store %arg7[%swap3A_461, %swap3A_462, %swap3A_463], %gather3A_459 {strides = array<i32>} : memref<2x64x200xf32, #tpu.memory_space<vmem>>, vector<16xf32>,
    }
    %scan3A_159 = arith.constant 64 : i32
    %add3A_160 = arith.constant 128 : i32
    %add3A_161 = arith.addi %mul3A_2, %add3A_160 : i32
    %dma_start3A_162 = arith.constant 0 : i32
    %dma_start3A_163 = arith.constant 0 : i32
    %dma_start3A_164 = arith.constant 0 : i32
    %dma_start3A_165 = tpu.memref_slice %arg7[%dma_start3A_162, %dma_start3A_163, %dma_start3A_164] : memref<2x64x200xf32, #tpu.memory_space<vmem>> -> memref<1x64x200xf32, #tpu.memory_space<vmem>>
    %dma_start3A_166 = tpu.memref_squeeze %dma_start3A_165 : memref<1x64x200xf32, #tpu.memory_space<vmem>> -> memref<64x200xf32, #tpu.memory_space<vmem>>
    %dma_start3A_167 = arith.constant 0 : i32
    %dma_start3A_168 = tpu.memref_slice %arg4[%add3A_161, %dma_start3A_167] : memref<8192x200xf32, #tpu.memory_space<hbm>> -> memref<64x200xf32, #tpu.memory_space<hbm>>
    %dma_start3A_169 = arith.constant 0 : i32
    %dma_start3A_170 = tpu.memref_slice %arg4[%add3A_161, %dma_start3A_169] : memref<8192x200xf32, #tpu.memory_space<hbm>> -> memref<64x200xf32, #tpu.memory_space<hbm>>
    %dma_start3A_171 = arith.constant 0 : i32
    %dma_start3A_172 = arith.constant 0 : i32
    %dma_start3A_173 = tpu.memref_slice %arg7[%dma_start3A_162, %dma_start3A_171, %dma_start3A_172] : memref<2x64x200xf32, #tpu.memory_space<vmem>> -> memref<1x64x200xf32, #tpu.memory_space<vmem>>
    %dma_start3A_174 = tpu.memref_squeeze %dma_start3A_173 : memref<1x64x200xf32, #tpu.memory_space<vmem>> -> memref<64x200xf32, #tpu.memory_space<vmem>>
    tpu.enqueue_dma source(%dma_start3A_174 : memref<64x200xf32, #tpu.memory_space<vmem>>) target(%dma_start3A_170 : memref<64x200xf32, #tpu.memory_space<hbm>>) target_semaphore(%arg10 : memref<!tpu.dma_semaphore, #tpu.memory_space<semaphore_mem>>)
    %dma_wait3A_175 = arith.constant 1 : i32
    %dma_wait3A_176 = arith.constant 0 : i32
    %dma_wait3A_177 = arith.constant 0 : i32
    %dma_wait3A_178 = tpu.memref_slice %arg6[%dma_wait3A_175, %dma_wait3A_176, %dma_wait3A_177] : memref<2x64x200xi32, #tpu.memory_space<vmem>> -> memref<1x64x200xi32, #tpu.memory_space<vmem>>
    %dma_wait3A_179 = tpu.memref_squeeze %dma_wait3A_178 : memref<1x64x200xi32, #tpu.memory_space<vmem>> -> memref<64x200xi32, #tpu.memory_space<vmem>>
    %dma_wait3A_180 = arith.constant 0 : i32
    %dma_wait3A_181 = tpu.memref_slice %arg2[%add3A_127, %dma_wait3A_180] : memref<8192x200xi32, #tpu.memory_space<hbm>> -> memref<64x200xi32, #tpu.memory_space<hbm>>
    %dma_wait3A_182 = arith.constant 0 : i32
    %dma_wait3A_183 = arith.constant 0 : i32
    %dma_wait3A_184 = tpu.memref_slice %arg6[%dma_wait3A_175, %dma_wait3A_182, %dma_wait3A_183] : memref<2x64x200xi32, #tpu.memory_space<vmem>> -> memref<1x64x200xi32, #tpu.memory_space<vmem>>
    %dma_wait3A_185 = tpu.memref_squeeze %dma_wait3A_184 : memref<1x64x200xi32, #tpu.memory_space<vmem>> -> memref<64x200xi32, #tpu.memory_space<vmem>>
    %dma_wait3A_186 = arith.constant 0 : i32
    %dma_wait3A_187 = tpu.memref_slice %arg2[%add3A_127, %dma_wait3A_186] : memref<8192x200xi32, #tpu.memory_space<hbm>> -> memref<64x200xi32, #tpu.memory_space<hbm>>
    tpu.wait_dma2 semaphore(%arg9 : memref<!tpu.dma_semaphore, #tpu.memory_space<semaphore_mem>>) src(%dma_wait3A_187 : memref<64x200xi32, #tpu.memory_space<hbm>>) dst(%dma_wait3A_185 : memref<64x200xi32, #tpu.memory_space<vmem>>)
    %dma_wait3A_188 = arith.constant 1 : i32
    %dma_wait3A_189 = arith.constant 0 : i32
    %dma_wait3A_190 = arith.constant 0 : i32
    %dma_wait3A_191 = tpu.memref_slice %arg7[%dma_wait3A_188, %dma_wait3A_189, %dma_wait3A_190] : memref<2x64x200xf32, #tpu.memory_space<vmem>> -> memref<1x64x200xf32, #tpu.memory_space<vmem>>
    %dma_wait3A_192 = tpu.memref_squeeze %dma_wait3A_191 : memref<1x64x200xf32, #tpu.memory_space<vmem>> -> memref<64x200xf32, #tpu.memory_space<vmem>>
    %dma_wait3A_193 = arith.constant 0 : i32
    %dma_wait3A_194 = tpu.memref_slice %arg4[%add3A_99, %dma_wait3A_193] : memref<8192x200xf32, #tpu.memory_space<hbm>> -> memref<64x200xf32, #tpu.memory_space<hbm>>
    %dma_wait3A_195 = arith.constant 0 : i32
    %dma_wait3A_196 = tpu.memref_slice %arg4[%add3A_99, %dma_wait3A_195] : memref<8192x200xf32, #tpu.memory_space<hbm>> -> memref<64x200xf32, #tpu.memory_space<hbm>>
    %dma_wait3A_197 = arith.constant 0 : i32
    %dma_wait3A_198 = arith.constant 0 : i32
    %dma_wait3A_199 = tpu.memref_slice %arg7[%dma_wait3A_188, %dma_wait3A_197, %dma_wait3A_198] : memref<2x64x200xf32, #tpu.memory_space<vmem>> -> memref<1x64x200xf32, #tpu.memory_space<vmem>>
    %dma_wait3A_200 = tpu.memref_squeeze %dma_wait3A_199 : memref<1x64x200xf32, #tpu.memory_space<vmem>> -> memref<64x200xf32, #tpu.memory_space<vmem>>
    tpu.wait_dma2 semaphore(%arg11 : memref<!tpu.dma_semaphore, #tpu.memory_space<semaphore_mem>>) src(%dma_wait3A_200 : memref<64x200xf32, #tpu.memory_space<vmem>>) dst(%dma_wait3A_196 : memref<64x200xf32, #tpu.memory_space<hbm>>)
    %scan3A_201 = arith.constant 0 : i32
    %scan3A_202 = arith.constant 0 : i32
    %scan3A_203 = arith.constant 64 : i32
    %scan3A_204 = arith.addi %scan3A_202, %scan3A_203 : i32
    %scan3A_205 = arith.constant 1 : i32
    scf.for %scan3A_248 = %scan3A_202 to %scan3A_204 step %scan3A_205  : i32 {
      %get3A = arith.constant 1 : i32
      %get3A_249 = arith.index_cast %get3A : i32 to index
      %get3A_250 = arith.index_cast %scan3A_248 : i32 to index
      %get3A_251 = arith.constant 0 : index
      %get3A_252 = tpu.vector_load %arg6[%get3A_249, %get3A_250, %get3A_251] {strides = array<i32>} : memref<2x64x200xi32, #tpu.memory_space<vmem>>, vector<16xi32>,
      %max3A = arith.constant 0 : i32
      %max3A_253 = vector.broadcast %max3A : i32 to vector<16xi32>
      %max3A_254 = arith.maxsi %get3A_252, %max3A_253 : vector<16xi32>
      %min3A = arith.constant 34 : i32
      %min3A_255 = vector.broadcast %min3A : i32 to vector<16xi32>
      %min3A_256 = arith.minsi %max3A_254, %min3A_255 : vector<16xi32>
      %gather3A = tpu.vector_load_idx %arg5[%min3A_256] : memref<40xf32, #tpu.memory_space<vmem>>[vector<16xi32>], vector<16xf32>,
      %swap3A = arith.constant 1 : i32
      %swap3A_257 = arith.index_cast %swap3A : i32 to index
      %swap3A_258 = arith.index_cast %scan3A_248 : i32 to index
      %swap3A_259 = arith.constant 0 : index
      %swap3A_260 = tpu.vector_load %arg7[%swap3A_257, %swap3A_258, %swap3A_259] {strides = array<i32>} : memref<2x64x200xf32, #tpu.memory_space<vmem>>, vector<16xf32>,
      tpu.vector_store %arg7[%swap3A_257, %swap3A_258, %swap3A_259], %gather3A {strides = array<i32>} : memref<2x64x200xf32, #tpu.memory_space<vmem>>, vector<16xf32>,
      %get3A_261 = arith.constant 1 : i32
      %get3A_262 = arith.index_cast %get3A_261 : i32 to index
      %get3A_263 = arith.index_cast %scan3A_248 : i32 to index
      %get3A_264 = arith.constant 16 : index
      %get3A_265 = tpu.vector_load %arg6[%get3A_262, %get3A_263, %get3A_264] {strides = array<i32>} : memref<2x64x200xi32, #tpu.memory_space<vmem>>, vector<16xi32>,
      %max3A_266 = arith.constant 0 : i32
      %max3A_267 = vector.broadcast %max3A_266 : i32 to vector<16xi32>
      %max3A_268 = arith.maxsi %get3A_265, %max3A_267 : vector<16xi32>
      %min3A_269 = arith.constant 34 : i32
      %min3A_270 = vector.broadcast %min3A_269 : i32 to vector<16xi32>
      %min3A_271 = arith.minsi %max3A_268, %min3A_270 : vector<16xi32>
      %gather3A_272 = tpu.vector_load_idx %arg5[%min3A_271] : memref<40xf32, #tpu.memory_space<vmem>>[vector<16xi32>], vector<16xf32>,
      %swap3A_273 = arith.constant 1 : i32
      %swap3A_274 = arith.index_cast %swap3A_273 : i32 to index
      %swap3A_275 = arith.index_cast %scan3A_248 : i32 to index
      %swap3A_276 = arith.constant 16 : index
      %swap3A_277 = tpu.vector_load %arg7[%swap3A_274, %swap3A_275, %swap3A_276] {strides = array<i32>} : memref<2x64x200xf32, #tpu.memory_space<vmem>>, vector<16xf32>,
      tpu.vector_store %arg7[%swap3A_274, %swap3A_275, %swap3A_276], %gather3A_272 {strides = array<i32>} : memref<2x64x200xf32, #tpu.memory_space<vmem>>, vector<16xf32>,
      %get3A_278 = arith.constant 1 : i32
      %get3A_279 = arith.index_cast %get3A_278 : i32 to index
      %get3A_280 = arith.index_cast %scan3A_248 : i32 to index
      %get3A_281 = arith.constant 32 : index
      %get3A_282 = tpu.vector_load %arg6[%get3A_279, %get3A_280, %get3A_281] {strides = array<i32>} : memref<2x64x200xi32, #tpu.memory_space<vmem>>, vector<16xi32>,
      %max3A_283 = arith.constant 0 : i32
      %max3A_284 = vector.broadcast %max3A_283 : i32 to vector<16xi32>
      %max3A_285 = arith.maxsi %get3A_282, %max3A_284 : vector<16xi32>
      %min3A_286 = arith.constant 34 : i32
      %min3A_287 = vector.broadcast %min3A_286 : i32 to vector<16xi32>
      %min3A_288 = arith.minsi %max3A_285, %min3A_287 : vector<16xi32>
      %gather3A_289 = tpu.vector_load_idx %arg5[%min3A_288] : memref<40xf32, #tpu.memory_space<vmem>>[vector<16xi32>], vector<16xf32>,
      %swap3A_290 = arith.constant 1 : i32
      %swap3A_291 = arith.index_cast %swap3A_290 : i32 to index
      %swap3A_292 = arith.index_cast %scan3A_248 : i32 to index
      %swap3A_293 = arith.constant 32 : index
      %swap3A_294 = tpu.vector_load %arg7[%swap3A_291, %swap3A_292, %swap3A_293] {strides = array<i32>} : memref<2x64x200xf32, #tpu.memory_space<vmem>>, vector<16xf32>,
      tpu.vector_store %arg7[%swap3A_291, %swap3A_292, %swap3A_293], %gather3A_289 {strides = array<i32>} : memref<2x64x200xf32, #tpu.memory_space<vmem>>, vector<16xf32>,
      %get3A_295 = arith.constant 1 : i32
      %get3A_296 = arith.index_cast %get3A_295 : i32 to index
      %get3A_297 = arith.index_cast %scan3A_248 : i32 to index
      %get3A_298 = arith.constant 48 : index
      %get3A_299 = tpu.vector_load %arg6[%get3A_296, %get3A_297, %get3A_298] {strides = array<i32>} : memref<2x64x200xi32, #tpu.memory_space<vmem>>, vector<16xi32>,
      %max3A_300 = arith.constant 0 : i32
      %max3A_301 = vector.broadcast %max3A_300 : i32 to vector<16xi32>
      %max3A_302 = arith.maxsi %get3A_299, %max3A_301 : vector<16xi32>
      %min3A_303 = arith.constant 34 : i32
      %min3A_304 = vector.broadcast %min3A_303 : i32 to vector<16xi32>
      %min3A_305 = arith.minsi %max3A_302, %min3A_304 : vector<16xi32>
      %gather3A_306 = tpu.vector_load_idx %arg5[%min3A_305] : memref<40xf32, #tpu.memory_space<vmem>>[vector<16xi32>], vector<16xf32>,
      %swap3A_307 = arith.constant 1 : i32
      %swap3A_308 = arith.index_cast %swap3A_307 : i32 to index
      %swap3A_309 = arith.index_cast %scan3A_248 : i32 to index
      %swap3A_310 = arith.constant 48 : index
      %swap3A_311 = tpu.vector_load %arg7[%swap3A_308, %swap3A_309, %swap3A_310] {strides = array<i32>} : memref<2x64x200xf32, #tpu.memory_space<vmem>>, vector<16xf32>,
      tpu.vector_store %arg7[%swap3A_308, %swap3A_309, %swap3A_310], %gather3A_306 {strides = array<i32>} : memref<2x64x200xf32, #tpu.memory_space<vmem>>, vector<16xf32>,
      %get3A_312 = arith.constant 1 : i32
      %get3A_313 = arith.index_cast %get3A_312 : i32 to index
      %get3A_314 = arith.index_cast %scan3A_248 : i32 to index
      %get3A_315 = arith.constant 64 : index
      %get3A_316 = tpu.vector_load %arg6[%get3A_313, %get3A_314, %get3A_315] {strides = array<i32>} : memref<2x64x200xi32, #tpu.memory_space<vmem>>, vector<16xi32>,
      %max3A_317 = arith.constant 0 : i32
      %max3A_318 = vector.broadcast %max3A_317 : i32 to vector<16xi32>
      %max3A_319 = arith.maxsi %get3A_316, %max3A_318 : vector<16xi32>
      %min3A_320 = arith.constant 34 : i32
      %min3A_321 = vector.broadcast %min3A_320 : i32 to vector<16xi32>
      %min3A_322 = arith.minsi %max3A_319, %min3A_321 : vector<16xi32>
      %gather3A_323 = tpu.vector_load_idx %arg5[%min3A_322] : memref<40xf32, #tpu.memory_space<vmem>>[vector<16xi32>], vector<16xf32>,
      %swap3A_324 = arith.constant 1 : i32
      %swap3A_325 = arith.index_cast %swap3A_324 : i32 to index
      %swap3A_326 = arith.index_cast %scan3A_248 : i32 to index
      %swap3A_327 = arith.constant 64 : index
      %swap3A_328 = tpu.vector_load %arg7[%swap3A_325, %swap3A_326, %swap3A_327] {strides = array<i32>} : memref<2x64x200xf32, #tpu.memory_space<vmem>>, vector<16xf32>,
      tpu.vector_store %arg7[%swap3A_325, %swap3A_326, %swap3A_327], %gather3A_323 {strides = array<i32>} : memref<2x64x200xf32, #tpu.memory_space<vmem>>, vector<16xf32>,
      %get3A_329 = arith.constant 1 : i32
      %get3A_330 = arith.index_cast %get3A_329 : i32 to index
      %get3A_331 = arith.index_cast %scan3A_248 : i32 to index
      %get3A_332 = arith.constant 80 : index
      %get3A_333 = tpu.vector_load %arg6[%get3A_330, %get3A_331, %get3A_332] {strides = array<i32>} : memref<2x64x200xi32, #tpu.memory_space<vmem>>, vector<16xi32>,
      %max3A_334 = arith.constant 0 : i32
      %max3A_335 = vector.broadcast %max3A_334 : i32 to vector<16xi32>
      %max3A_336 = arith.maxsi %get3A_333, %max3A_335 : vector<16xi32>
      %min3A_337 = arith.constant 34 : i32
      %min3A_338 = vector.broadcast %min3A_337 : i32 to vector<16xi32>
      %min3A_339 = arith.minsi %max3A_336, %min3A_338 : vector<16xi32>
      %gather3A_340 = tpu.vector_load_idx %arg5[%min3A_339] : memref<40xf32, #tpu.memory_space<vmem>>[vector<16xi32>], vector<16xf32>,
      %swap3A_341 = arith.constant 1 : i32
      %swap3A_342 = arith.index_cast %swap3A_341 : i32 to index
      %swap3A_343 = arith.index_cast %scan3A_248 : i32 to index
      %swap3A_344 = arith.constant 80 : index
      %swap3A_345 = tpu.vector_load %arg7[%swap3A_342, %swap3A_343, %swap3A_344] {strides = array<i32>} : memref<2x64x200xf32, #tpu.memory_space<vmem>>, vector<16xf32>,
      tpu.vector_store %arg7[%swap3A_342, %swap3A_343, %swap3A_344], %gather3A_340 {strides = array<i32>} : memref<2x64x200xf32, #tpu.memory_space<vmem>>, vector<16xf32>,
      %get3A_346 = arith.constant 1 : i32
      %get3A_347 = arith.index_cast %get3A_346 : i32 to index
      %get3A_348 = arith.index_cast %scan3A_248 : i32 to index
      %get3A_349 = arith.constant 96 : index
      %get3A_350 = tpu.vector_load %arg6[%get3A_347, %get3A_348, %get3A_349] {strides = array<i32>} : memref<2x64x200xi32, #tpu.memory_space<vmem>>, vector<16xi32>,
      %max3A_351 = arith.constant 0 : i32
      %max3A_352 = vector.broadcast %max3A_351 : i32 to vector<16xi32>
      %max3A_353 = arith.maxsi %get3A_350, %max3A_352 : vector<16xi32>
      %min3A_354 = arith.constant 34 : i32
      %min3A_355 = vector.broadcast %min3A_354 : i32 to vector<16xi32>
      %min3A_356 = arith.minsi %max3A_353, %min3A_355 : vector<16xi32>
      %gather3A_357 = tpu.vector_load_idx %arg5[%min3A_356] : memref<40xf32, #tpu.memory_space<vmem>>[vector<16xi32>], vector<16xf32>,
      %swap3A_358 = arith.constant 1 : i32
      %swap3A_359 = arith.index_cast %swap3A_358 : i32 to index
      %swap3A_360 = arith.index_cast %scan3A_248 : i32 to index
      %swap3A_361 = arith.constant 96 : index
      %swap3A_362 = tpu.vector_load %arg7[%swap3A_359, %swap3A_360, %swap3A_361] {strides = array<i32>} : memref<2x64x200xf32, #tpu.memory_space<vmem>>, vector<16xf32>,
      tpu.vector_store %arg7[%swap3A_359, %swap3A_360, %swap3A_361], %gather3A_357 {strides = array<i32>} : memref<2x64x200xf32, #tpu.memory_space<vmem>>, vector<16xf32>,
      %get3A_363 = arith.constant 1 : i32
      %get3A_364 = arith.index_cast %get3A_363 : i32 to index
      %get3A_365 = arith.index_cast %scan3A_248 : i32 to index
      %get3A_366 = arith.constant 112 : index
      %get3A_367 = tpu.vector_load %arg6[%get3A_364, %get3A_365, %get3A_366] {strides = array<i32>} : memref<2x64x200xi32, #tpu.memory_space<vmem>>, vector<16xi32>,
      %max3A_368 = arith.constant 0 : i32
      %max3A_369 = vector.broadcast %max3A_368 : i32 to vector<16xi32>
      %max3A_370 = arith.maxsi %get3A_367, %max3A_369 : vector<16xi32>
      %min3A_371 = arith.constant 34 : i32
      %min3A_372 = vector.broadcast %min3A_371 : i32 to vector<16xi32>
      %min3A_373 = arith.minsi %max3A_370, %min3A_372 : vector<16xi32>
      %gather3A_374 = tpu.vector_load_idx %arg5[%min3A_373] : memref<40xf32, #tpu.memory_space<vmem>>[vector<16xi32>], vector<16xf32>,
      %swap3A_375 = arith.constant 1 : i32
      %swap3A_376 = arith.index_cast %swap3A_375 : i32 to index
      %swap3A_377 = arith.index_cast %scan3A_248 : i32 to index
      %swap3A_378 = arith.constant 112 : index
      %swap3A_379 = tpu.vector_load %arg7[%swap3A_376, %swap3A_377, %swap3A_378] {strides = array<i32>} : memref<2x64x200xf32, #tpu.memory_space<vmem>>, vector<16xf32>,
      tpu.vector_store %arg7[%swap3A_376, %swap3A_377, %swap3A_378], %gather3A_374 {strides = array<i32>} : memref<2x64x200xf32, #tpu.memory_space<vmem>>, vector<16xf32>,
      %get3A_380 = arith.constant 1 : i32
      %get3A_381 = arith.index_cast %get3A_380 : i32 to index
      %get3A_382 = arith.index_cast %scan3A_248 : i32 to index
      %get3A_383 = arith.constant 128 : index
      %get3A_384 = tpu.vector_load %arg6[%get3A_381, %get3A_382, %get3A_383] {strides = array<i32>} : memref<2x64x200xi32, #tpu.memory_space<vmem>>, vector<16xi32>,
      %max3A_385 = arith.constant 0 : i32
      %max3A_386 = vector.broadcast %max3A_385 : i32 to vector<16xi32>
      %max3A_387 = arith.maxsi %get3A_384, %max3A_386 : vector<16xi32>
      %min3A_388 = arith.constant 34 : i32
      %min3A_389 = vector.broadcast %min3A_388 : i32 to vector<16xi32>
      %min3A_390 = arith.minsi %max3A_387, %min3A_389 : vector<16xi32>
      %gather3A_391 = tpu.vector_load_idx %arg5[%min3A_390] : memref<40xf32, #tpu.memory_space<vmem>>[vector<16xi32>], vector<16xf32>,
      %swap3A_392 = arith.constant 1 : i32
      %swap3A_393 = arith.index_cast %swap3A_392 : i32 to index
      %swap3A_394 = arith.index_cast %scan3A_248 : i32 to index
      %swap3A_395 = arith.constant 128 : index
      %swap3A_396 = tpu.vector_load %arg7[%swap3A_393, %swap3A_394, %swap3A_395] {strides = array<i32>} : memref<2x64x200xf32, #tpu.memory_space<vmem>>, vector<16xf32>,
      tpu.vector_store %arg7[%swap3A_393, %swap3A_394, %swap3A_395], %gather3A_391 {strides = array<i32>} : memref<2x64x200xf32, #tpu.memory_space<vmem>>, vector<16xf32>,
      %get3A_397 = arith.constant 1 : i32
      %get3A_398 = arith.index_cast %get3A_397 : i32 to index
      %get3A_399 = arith.index_cast %scan3A_248 : i32 to index
      %get3A_400 = arith.constant 144 : index
      %get3A_401 = tpu.vector_load %arg6[%get3A_398, %get3A_399, %get3A_400] {strides = array<i32>} : memref<2x64x200xi32, #tpu.memory_space<vmem>>, vector<16xi32>,
      %max3A_402 = arith.constant 0 : i32
      %max3A_403 = vector.broadcast %max3A_402 : i32 to vector<16xi32>
      %max3A_404 = arith.maxsi %get3A_401, %max3A_403 : vector<16xi32>
      %min3A_405 = arith.constant 34 : i32
      %min3A_406 = vector.broadcast %min3A_405 : i32 to vector<16xi32>
      %min3A_407 = arith.minsi %max3A_404, %min3A_406 : vector<16xi32>
      %gather3A_408 = tpu.vector_load_idx %arg5[%min3A_407] : memref<40xf32, #tpu.memory_space<vmem>>[vector<16xi32>], vector<16xf32>,
      %swap3A_409 = arith.constant 1 : i32
      %swap3A_410 = arith.index_cast %swap3A_409 : i32 to index
      %swap3A_411 = arith.index_cast %scan3A_248 : i32 to index
      %swap3A_412 = arith.constant 144 : index
      %swap3A_413 = tpu.vector_load %arg7[%swap3A_410, %swap3A_411, %swap3A_412] {strides = array<i32>} : memref<2x64x200xf32, #tpu.memory_space<vmem>>, vector<16xf32>,
      tpu.vector_store %arg7[%swap3A_410, %swap3A_411, %swap3A_412], %gather3A_408 {strides = array<i32>} : memref<2x64x200xf32, #tpu.memory_space<vmem>>, vector<16xf32>,
      %get3A_414 = arith.constant 1 : i32
      %get3A_415 = arith.index_cast %get3A_414 : i32 to index
      %get3A_416 = arith.index_cast %scan3A_248 : i32 to index
      %get3A_417 = arith.constant 160 : index
      %get3A_418 = tpu.vector_load %arg6[%get3A_415, %get3A_416, %get3A_417] {strides = array<i32>} : memref<2x64x200xi32, #tpu.memory_space<vmem>>, vector<16xi32>,
      %max3A_419 = arith.constant 0 : i32
      %max3A_420 = vector.broadcast %max3A_419 : i32 to vector<16xi32>
      %max3A_421 = arith.maxsi %get3A_418, %max3A_420 : vector<16xi32>
      %min3A_422 = arith.constant 34 : i32
      %min3A_423 = vector.broadcast %min3A_422 : i32 to vector<16xi32>
      %min3A_424 = arith.minsi %max3A_421, %min3A_423 : vector<16xi32>
      %gather3A_425 = tpu.vector_load_idx %arg5[%min3A_424] : memref<40xf32, #tpu.memory_space<vmem>>[vector<16xi32>], vector<16xf32>,
      %swap3A_426 = arith.constant 1 : i32
      %swap3A_427 = arith.index_cast %swap3A_426 : i32 to index
      %swap3A_428 = arith.index_cast %scan3A_248 : i32 to index
      %swap3A_429 = arith.constant 160 : index
      %swap3A_430 = tpu.vector_load %arg7[%swap3A_427, %swap3A_428, %swap3A_429] {strides = array<i32>} : memref<2x64x200xf32, #tpu.memory_space<vmem>>, vector<16xf32>,
      tpu.vector_store %arg7[%swap3A_427, %swap3A_428, %swap3A_429], %gather3A_425 {strides = array<i32>} : memref<2x64x200xf32, #tpu.memory_space<vmem>>, vector<16xf32>,
      %get3A_431 = arith.constant 1 : i32
      %get3A_432 = arith.index_cast %get3A_431 : i32 to index
      %get3A_433 = arith.index_cast %scan3A_248 : i32 to index
      %get3A_434 = arith.constant 176 : index
      %get3A_435 = tpu.vector_load %arg6[%get3A_432, %get3A_433, %get3A_434] {strides = array<i32>} : memref<2x64x200xi32, #tpu.memory_space<vmem>>, vector<16xi32>,
      %max3A_436 = arith.constant 0 : i32
      %max3A_437 = vector.broadcast %max3A_436 : i32 to vector<16xi32>
      %max3A_438 = arith.maxsi %get3A_435, %max3A_437 : vector<16xi32>
      %min3A_439 = arith.constant 34 : i32
      %min3A_440 = vector.broadcast %min3A_439 : i32 to vector<16xi32>
      %min3A_441 = arith.minsi %max3A_438, %min3A_440 : vector<16xi32>
      %gather3A_442 = tpu.vector_load_idx %arg5[%min3A_441] : memref<40xf32, #tpu.memory_space<vmem>>[vector<16xi32>], vector<16xf32>,
      %swap3A_443 = arith.constant 1 : i32
      %swap3A_444 = arith.index_cast %swap3A_443 : i32 to index
      %swap3A_445 = arith.index_cast %scan3A_248 : i32 to index
      %swap3A_446 = arith.constant 176 : index
      %swap3A_447 = tpu.vector_load %arg7[%swap3A_444, %swap3A_445, %swap3A_446] {strides = array<i32>} : memref<2x64x200xf32, #tpu.memory_space<vmem>>, vector<16xf32>,
      tpu.vector_store %arg7[%swap3A_444, %swap3A_445, %swap3A_446], %gather3A_442 {strides = array<i32>} : memref<2x64x200xf32, #tpu.memory_space<vmem>>, vector<16xf32>,
      %get3A_448 = arith.constant 1 : i32
      %get3A_449 = arith.index_cast %get3A_448 : i32 to index
      %get3A_450 = arith.index_cast %scan3A_248 : i32 to index
      %get3A_451 = arith.constant 184 : index
      %get3A_452 = tpu.vector_load %arg6[%get3A_449, %get3A_450, %get3A_451] {strides = array<i32>} : memref<2x64x200xi32, #tpu.memory_space<vmem>>, vector<16xi32>,
      %max3A_453 = arith.constant 0 : i32
      %max3A_454 = vector.broadcast %max3A_453 : i32 to vector<16xi32>
      %max3A_455 = arith.maxsi %get3A_452, %max3A_454 : vector<16xi32>
      %min3A_456 = arith.constant 34 : i32
      %min3A_457 = vector.broadcast %min3A_456 : i32 to vector<16xi32>
      %min3A_458 = arith.minsi %max3A_455, %min3A_457 : vector<16xi32>
      %gather3A_459 = tpu.vector_load_idx %arg5[%min3A_458] : memref<40xf32, #tpu.memory_space<vmem>>[vector<16xi32>], vector<16xf32>,
      %swap3A_460 = arith.constant 1 : i32
      %swap3A_461 = arith.index_cast %swap3A_460 : i32 to index
      %swap3A_462 = arith.index_cast %scan3A_248 : i32 to index
      %swap3A_463 = arith.constant 184 : index
      %swap3A_464 = tpu.vector_load %arg7[%swap3A_461, %swap3A_462, %swap3A_463] {strides = array<i32>} : memref<2x64x200xf32, #tpu.memory_space<vmem>>, vector<16xf32>,
      tpu.vector_store %arg7[%swap3A_461, %swap3A_462, %swap3A_463], %gather3A_459 {strides = array<i32>} : memref<2x64x200xf32, #tpu.memory_space<vmem>>, vector<16xf32>,
    }
    %scan3A_206 = arith.constant 64 : i32
    %add3A_207 = arith.constant 192 : i32
    %add3A_208 = arith.addi %mul3A_2, %add3A_207 : i32
    %dma_start3A_209 = arith.constant 1 : i32
    %dma_start3A_210 = arith.constant 0 : i32
    %dma_start3A_211 = arith.constant 0 : i32
    %dma_start3A_212 = tpu.memref_slice %arg7[%dma_start3A_209, %dma_start3A_210, %dma_start3A_211] : memref<2x64x200xf32, #tpu.memory_space<vmem>> -> memref<1x64x200xf32, #tpu.memory_space<vmem>>
    %dma_start3A_213 = tpu.memref_squeeze %dma_start3A_212 : memref<1x64x200xf32, #tpu.memory_space<vmem>> -> memref<64x200xf32, #tpu.memory_space<vmem>>
    %dma_start3A_214 = arith.constant 0 : i32
    %dma_start3A_215 = tpu.memref_slice %arg4[%add3A_208, %dma_start3A_214] : memref<8192x200xf32, #tpu.memory_space<hbm>> -> memref<64x200xf32, #tpu.memory_space<hbm>>
    %dma_start3A_216 = arith.constant 0 : i32
    %dma_start3A_217 = tpu.memref_slice %arg4[%add3A_208, %dma_start3A_216] : memref<8192x200xf32, #tpu.memory_space<hbm>> -> memref<64x200xf32, #tpu.memory_space<hbm>>
    %dma_start3A_218 = arith.constant 0 : i32
    %dma_start3A_219 = arith.constant 0 : i32
    %dma_start3A_220 = tpu.memref_slice %arg7[%dma_start3A_209, %dma_start3A_218, %dma_start3A_219] : memref<2x64x200xf32, #tpu.memory_space<vmem>> -> memref<1x64x200xf32, #tpu.memory_space<vmem>>
    %dma_start3A_221 = tpu.memref_squeeze %dma_start3A_220 : memref<1x64x200xf32, #tpu.memory_space<vmem>> -> memref<64x200xf32, #tpu.memory_space<vmem>>
    tpu.enqueue_dma source(%dma_start3A_221 : memref<64x200xf32, #tpu.memory_space<vmem>>) target(%dma_start3A_217 : memref<64x200xf32, #tpu.memory_space<hbm>>) target_semaphore(%arg11 : memref<!tpu.dma_semaphore, #tpu.memory_space<semaphore_mem>>)
    %dma_wait3A_222 = arith.constant 0 : i32
    %dma_wait3A_223 = arith.constant 0 : i32
    %dma_wait3A_224 = arith.constant 0 : i32
    %dma_wait3A_225 = tpu.memref_slice %arg7[%dma_wait3A_222, %dma_wait3A_223, %dma_wait3A_224] : memref<2x64x200xf32, #tpu.memory_space<vmem>> -> memref<1x64x200xf32, #tpu.memory_space<vmem>>
    %dma_wait3A_226 = tpu.memref_squeeze %dma_wait3A_225 : memref<1x64x200xf32, #tpu.memory_space<vmem>> -> memref<64x200xf32, #tpu.memory_space<vmem>>
    %dma_wait3A_227 = arith.constant 0 : i32
    %dma_wait3A_228 = tpu.memref_slice %arg4[%add3A_161, %dma_wait3A_227] : memref<8192x200xf32, #tpu.memory_space<hbm>> -> memref<64x200xf32, #tpu.memory_space<hbm>>
    %dma_wait3A_229 = arith.constant 0 : i32
    %dma_wait3A_230 = tpu.memref_slice %arg4[%add3A_161, %dma_wait3A_229] : memref<8192x200xf32, #tpu.memory_space<hbm>> -> memref<64x200xf32, #tpu.memory_space<hbm>>
    %dma_wait3A_231 = arith.constant 0 : i32
    %dma_wait3A_232 = arith.constant 0 : i32
    %dma_wait3A_233 = tpu.memref_slice %arg7[%dma_wait3A_222, %dma_wait3A_231, %dma_wait3A_232] : memref<2x64x200xf32, #tpu.memory_space<vmem>> -> memref<1x64x200xf32, #tpu.memory_space<vmem>>
    %dma_wait3A_234 = tpu.memref_squeeze %dma_wait3A_233 : memref<1x64x200xf32, #tpu.memory_space<vmem>> -> memref<64x200xf32, #tpu.memory_space<vmem>>
    tpu.wait_dma2 semaphore(%arg10 : memref<!tpu.dma_semaphore, #tpu.memory_space<semaphore_mem>>) src(%dma_wait3A_234 : memref<64x200xf32, #tpu.memory_space<vmem>>) dst(%dma_wait3A_230 : memref<64x200xf32, #tpu.memory_space<hbm>>)
    %dma_wait3A_235 = arith.constant 1 : i32
    %dma_wait3A_236 = arith.constant 0 : i32
    %dma_wait3A_237 = arith.constant 0 : i32
    %dma_wait3A_238 = tpu.memref_slice %arg7[%dma_wait3A_235, %dma_wait3A_236, %dma_wait3A_237] : memref<2x64x200xf32, #tpu.memory_space<vmem>> -> memref<1x64x200xf32, #tpu.memory_space<vmem>>
    %dma_wait3A_239 = tpu.memref_squeeze %dma_wait3A_238 : memref<1x64x200xf32, #tpu.memory_space<vmem>> -> memref<64x200xf32, #tpu.memory_space<vmem>>
    %dma_wait3A_240 = arith.constant 0 : i32
    %dma_wait3A_241 = tpu.memref_slice %arg4[%add3A_208, %dma_wait3A_240] : memref<8192x200xf32, #tpu.memory_space<hbm>> -> memref<64x200xf32, #tpu.memory_space<hbm>>
    %dma_wait3A_242 = arith.constant 0 : i32
    %dma_wait3A_243 = tpu.memref_slice %arg4[%add3A_208, %dma_wait3A_242] : memref<8192x200xf32, #tpu.memory_space<hbm>> -> memref<64x200xf32, #tpu.memory_space<hbm>>
    %dma_wait3A_244 = arith.constant 0 : i32
    %dma_wait3A_245 = arith.constant 0 : i32
    %dma_wait3A_246 = tpu.memref_slice %arg7[%dma_wait3A_235, %dma_wait3A_244, %dma_wait3A_245] : memref<2x64x200xf32, #tpu.memory_space<vmem>> -> memref<1x64x200xf32, #tpu.memory_space<vmem>>
    %dma_wait3A_247 = tpu.memref_squeeze %dma_wait3A_246 : memref<1x64x200xf32, #tpu.memory_space<vmem>> -> memref<64x200xf32, #tpu.memory_space<vmem>>
    tpu.wait_dma2 semaphore(%arg11 : memref<!tpu.dma_semaphore, #tpu.memory_space<semaphore_mem>>) src(%dma_wait3A_247 : memref<64x200xf32, #tpu.memory_space<vmem>>) dst(%dma_wait3A_243 : memref<64x200xf32, #tpu.memory_space<hbm>>)
    return
  }
}

module attributes {stable_mosaic.version = 14 : i64} {
  func.func @_tc_body(%arg0: i32, %arg1: memref<2048x200xi32, #tpu.memory_space<vmem>>, %arg2: memref<1x128xf32, #tpu.memory_space<vmem>>, %arg3: memref<2048x200xf32, #tpu.memory_space<vmem>>) attributes {dimension_semantics = [#tpu.dimension_semantics<arbitrary>], iteration_bounds = array<i64: 4>, scalar_prefetch = 0 : i64, scratch_operands = 0 : i64, tpu.core_type = #tpu.core_type<tc>, window_params = [{transform_indices = @transform_0, window_bounds = array<i64: 2048, 200>}, {pipeline_mode = #tpu.pipeline_mode<synchronous>, transform_indices = @transform_1, window_bounds = array<i64: 1, 128>}, {transform_indices = @transform_2, window_bounds = array<i64: 2048, 200>}]} {
    %get3A = arith.constant 0 : index
    %get3A_0 = arith.constant 0 : index
    %get3A_1 = vector.load %arg1[%get3A, %get3A_0] : memref<2048x200xi32, #tpu.memory_space<vmem>>, vector<2048x200xi32>
    %max3A = arith.constant 0 : i32
    %max3A_2 = vector.broadcast %max3A : i32 to vector<2048x200xi32>
    %max3A_3 = arith.maxsi %get3A_1, %max3A_2 : vector<2048x200xi32>
    %min3A = arith.constant 34 : i32
    %min3A_4 = vector.broadcast %min3A : i32 to vector<2048x200xi32>
    %min3A_5 = arith.minsi %max3A_3, %min3A_4 : vector<2048x200xi32>
    %get3A_6 = arith.constant 0 : index
    %get3A_7 = arith.constant 0 : index
    %get3A_8 = vector.load %arg2[%get3A_6, %get3A_7] : memref<1x128xf32, #tpu.memory_space<vmem>>, vector<1x128xf32>
    %broadcast_in_dim3A = vector.shape_cast %get3A_8 : vector<1x128xf32> to vector<1x128xf32>
    %broadcast_in_dim3A_9 = vector.broadcast %broadcast_in_dim3A : vector<1x128xf32> to vector<2048x128xf32>
    %reshape3A = vector.shape_cast %min3A_5 : vector<2048x200xi32> to vector<2048x200x1xi32>
    %gather3A = vector.shape_cast %reshape3A : vector<2048x200x1xi32> to vector<2048x200xi32>
    %gather3A_10 = tpu.dynamic_gather %broadcast_in_dim3A_9[%gather3A] in [1] : vector<2048x128xf32>, vector<2048x200xi32> -> vector<2048x200xf32>
    %swap3A = arith.constant 0 : index
    %swap3A_11 = arith.constant 0 : index
    %swap3A_12 = vector.load %arg3[%swap3A, %swap3A_11] : memref<2048x200xf32, #tpu.memory_space<vmem>>, vector<2048x200xf32>
    tpu.vector_store %arg3[%swap3A, %swap3A_11], %gather3A_10 {strides = array<i32>} : memref<2048x200xf32, #tpu.memory_space<vmem>>, vector<2048x200xf32>,
    return
  }
  func.func @transform_0(%arg0: i32) -> (i32, i32) {
    %add3A = arith.constant 4 : i32
    %add3A_0 = arith.addi %arg0, %add3A : i32
    %c0_i32 = arith.constant 0 : i32
    %c0_i32_1 = arith.constant 0 : i32
    return %add3A_0, %c0_i32 : i32, i32
  }
  func.func @transform_1(%arg0: i32) -> (i32, i32) {
    %c0_i32 = arith.constant 0 : i32
    %c0_i32_0 = arith.constant 0 : i32
    %c0_i32_1 = arith.constant 0 : i32
    return %c0_i32, %c0_i32_0 : i32, i32
  }
  func.func @transform_2(%arg0: i32) -> (i32, i32) {
    %c0_i32 = arith.constant 0 : i32
    %c0_i32_0 = arith.constant 0 : i32
    return %arg0, %c0_i32 : i32, i32
  }
}

</mosaic_0001>

<sc_bundles>
// kernel: kernel.4.cloned.1.call-start
scs
__scs_entry_jumppad:
0x0: {  	(pc) =	sbr.rel $0x88, $3  }
0x1: {  	(tag) =	ssettag $0x0;
	lr =	simm.s32 $0x1  }
0x2: {  	[smem:$0x3F9F] =	sst lr;
	_ =	strace $0xD0000000  }
0x3: {  	_ = 	snop  }
0x4: {  	_ = 	snop  }
0x5: {  	_ = 	snop  }
0x6: {  	_ = 	snop  }
0x7: {  	_ = 	snop  }
__scs_overlays_trampoline_lowered:
0x8: {  	[smem:$0x3FAE] =	sst s0  }
0x9: {  	[smem:$0x3FAF] =	sst s1  }
0xa: {  	[smem:$0x3FB0] =	sst s2  }
0xb: {  	[smem:$0x3FB1] =	sst s3  }
0xc: {  	[smem:$0x3FB2] =	sst s4  }
0xd: {  	[smem:$0x3FB3] =	sst s5  }
0xe: {  	[smem:$0x3FB4] =	sst s6  }
0xf: {  	[smem:$0x3FB5] =	sst s7  }
0x10: {  	[smem:$0x3FB6] =	sst s8  }
0x11: {  	[smem:$0x3FB7] =	sst s9;
	s0 =	simm.s32 @!p0 $0x0  }
0x12: {  	s1 =	sld [smem:$0x3F9D];
	s0 =	simm.s32 @p0 $0x1  }
0x13: {  	[smem:$0x3FB8] =	sst s0;
	s0 =	simm.s32 @!p1 $0x0  }
0x14: {  	s2 =	sld [smem:$0x3F9C];
	s0 =	simm.s32 @p1 $0x1  }
0x15: {  	[smem:$0x3FB9] =	sst s0;
	s0 =	simm.s32 @!p2 $0x0  }
0x16: {  	s3 =	sld [smem:$0x3FDB];
	s0 =	simm.s32 @p2 $0x1  }
0x17: {  	s4 =	simm.s32 $0x1BF5;
	[smem:$0x3FBB] =	sst s0  }
0x18: {  	s0 =	sld [smem:$0x3F9E];
	_ =	swait.ge [sflag:s4], $0x0  }
0x19: {  	s7 =	sld [smem:$0x3F9F]  }
0x1a: {  	s8 =	sadd.s32 $0xFFFFE003, lr  }
0x1b: {  	s9 =	sadd.s32 $0xFFFFFEF7, lr;
	s5 =	simm.s32 $0xFFFFFFFF;
	p2 =	slt.u32 s8, $0xFFFFF086  }
0x1c: {  	p1 =	slt.u32 s9, $0xF7A;
	s5 =	simm.s32 @!p2 $0x0  }
0x1d: {  	s5 =	simm.s32 @p1 $0x1;
	p0 =	seq.s32 s7, s2  }
0x1e: {  	s7 =	smul.u32 @!p0 $0xF7A, s2;
	p2 =	seq.s32 @!p0 s5, $0x0  }
0x1f: {  	s9 =	smul.u32 $0xF7A, s1;
	s8 =	simm.s32 @!p0 $0x1BF5;
	p2 =	por !p2, p0  }
0x20: {  	[sflag:s8] =	ssyncset.s32 @!p0 $0xFFFFF086;
	s6 =	sadd.s32 @!p0 s3, s7;
	s7 =	simm.s32 @!p0 $0x108  }
0x21: {  	s3 =	sadd.s32 s3, s9;
	s6 =	sadd.s32 @!p0 $0x88, s6;
	s7 =	simm.s32 @p2 $0x1082  }
0x22: {  	[simem:s7], [sflag:s8] =	dma.local @!p0 [hbm:s6], $0xF7A  }
0x23: {  	s9 =	sor.u32 $0xD0000000, s2;
	s6 =	simm.s32 $0x108;
	_ =	swait.ge @!p0 [sflag:s8], $0x0  }
0x24: {  	s3 =	sadd.s32 $0x88, s3;
	s6 =	simm.s32 @!p1 $0x1082;
	[sflag:s4] =	ssyncset.s32 $0xFFFFF086  }
0x25: {  	[simem:s6], [sflag:s4] =	dma.local [hbm:s3], $0xF7A  }
0x26: {  	[smem:$0x3F9F] =	sst s1;
	(tag) =	ssettag s2;
	_ =	strace s9  }
0x27: {  	s1 =	sld [smem:$0x3FAF]  }
0x28: {  	s2 =	sld [smem:$0x3FB0]  }
0x29: {  	s4 =	sld [smem:$0x3FB2]  }
0x2a: {  	p0 =	seq.s32 s5, $0x0;
	s5 =	sld [smem:$0x3FB3]  }
0x2b: {  	s6 =	sld [smem:$0x3FB4]  }
0x2c: {  	s7 =	sld [smem:$0x3FB5]  }
0x2d: {  	s3 =	simm.s32 $0x108;
	s8 =	sld [smem:$0x3FB6]  }
0x2e: {  	s3 =	simm.s32 @!p0 $0x1082;
	s9 =	sld [smem:$0x3FB7]  }
0x2f: {  	lr =	sadd.s32 s0, s3;
	s0 =	sld [smem:$0x3FAE]  }
0x30: {  	s3 =	sld [smem:$0x3FB1]  }
0x31: {  	[smem:$0x3FBA] =	sst s10  }
0x32: {  	s10 =	sld [smem:$0x3FB8];
	_ =	sdelay $0x3  }
0x33: {  	p0 =	seq.s32 s10, $0x1;
	s10 =	sld [smem:$0x3FBA];
	_ =	sdelay $0x3  }
0x34: {  	[smem:$0x3FBA] =	sst s10  }
0x35: {  	s10 =	sld [smem:$0x3FB9];
	_ =	sdelay $0x3  }
0x36: {  	p1 =	seq.s32 s10, $0x1;
	s10 =	sld [smem:$0x3FBA];
	_ =	sdelay $0x3  }
0x37: {  	[smem:$0x3FBA] =	sst s10  }
0x38: {  	s10 =	sld [smem:$0x3FBB]  }
0x39: {  	_ = 	snop;
	(pc) =	sbr.ind lr, $3  }
0x3a: {  	_ = 	snop  }
0x3b: {  	_ = 	snop  }
0x3c: {  	p2 =	seq.s32 s10, $0x1;
	s10 =	sld [smem:$0x3FBA]  }
0x3d: {  	_ =	shalt  }
0x3e: {  	_ =	shalt  }
0x3f: {  	_ =	shalt  }
0x40: {  	_ =	shalt  }
0x41: {  	_ =	shalt  }
0x42: {  	_ =	shalt  }
0x43: {  	_ =	shalt  }
0x44: {  	_ =	shalt  }
0x45: {  	_ =	shalt  }
0x46: {  	_ =	shalt  }
0x47: {  	_ =	shalt  }
0x48: {  	_ =	shalt  }
0x49: {  	_ =	shalt  }
0x4a: {  	_ =	shalt  }
0x4b: {  	_ =	shalt  }
0x4c: {  	_ =	shalt  }
0x4d: {  	_ =	shalt  }
0x4e: {  	_ =	shalt  }
0x4f: {  	_ =	shalt  }
0x50: {  	_ =	shalt  }
0x51: {  	_ =	shalt  }
0x52: {  	_ =	shalt  }
0x53: {  	_ =	shalt  }
0x54: {  	_ =	shalt  }
0x55: {  	_ =	shalt  }
0x56: {  	_ =	shalt  }
0x57: {  	_ =	shalt  }
0x58: {  	_ =	shalt  }
0x59: {  	_ =	shalt  }
0x5a: {  	_ =	shalt  }
0x5b: {  	_ =	shalt  }
0x5c: {  	_ =	shalt  }
0x5d: {  	_ =	shalt  }
0x5e: {  	_ =	shalt  }
0x5f: {  	_ =	shalt  }
0x60: {  	_ =	shalt  }
0x61: {  	_ =	shalt  }
0x62: {  	_ =	shalt  }
0x63: {  	_ =	shalt  }
0x64: {  	_ =	shalt  }
0x65: {  	_ =	shalt  }
0x66: {  	_ =	shalt  }
0x67: {  	_ =	shalt  }
0x68: {  	_ =	shalt  }
0x69: {  	_ =	shalt  }
0x6a: {  	_ =	shalt  }
0x6b: {  	_ =	shalt  }
0x6c: {  	_ =	shalt  }
0x6d: {  	_ =	shalt  }
0x6e: {  	_ =	shalt  }
0x6f: {  	_ =	shalt  }
0x70: {  	_ =	shalt  }
0x71: {  	_ =	shalt  }
0x72: {  	_ =	shalt  }
0x73: {  	_ =	shalt  }
0x74: {  	_ =	shalt  }
0x75: {  	_ =	shalt  }
0x76: {  	_ =	shalt  }
0x77: {  	_ =	shalt  }
0x78: {  	_ =	shalt  }
0x79: {  	_ =	shalt  }
0x7a: {  	_ =	shalt  }
0x7b: {  	_ =	shalt  }
0x7c: {  	_ =	shalt  }
0x7d: {  	_ =	shalt  }
0x7e: {  	_ =	shalt  }
0x7f: {  	_ =	shalt  }
0x80: {  	_ =	shalt  }
0x81: {  	_ =	shalt  }
0x82: {  	_ =	shalt  }
0x83: {  	_ =	shalt  }
0x84: {  	_ =	shalt  }
0x85: {  	_ =	shalt  }
0x86: {  	_ =	shalt  }
0x87: {  	_ =	shalt  }
.Lfunc_end0:
.L_simem_size_0:
called_computation_lowered:
.L_overlay_start_0:
0x88: {  	s2 =	sld [smem:$0x3FD9]  }
0x89: {  	s3 =	sld [smem:$0x3FFE];
	_ =	sdelay $0x1  }
0x8a: {  	s1 =	srdreg.scid  }
0x8b: {  	s0 =	sand.u32 $0x1, s1  }
0x8c: {  	s17 =	sshll.u32 s0, $0xA;
	s2 =	sadd.s32 s3, s2  }
0x8d: {  	s2 =	sadd.s32 s2, s17  }
0x8e: {  	[smem:$0x3FC6] =	sst s2  }
0x8f: {  	_ = 	snop  }
0x90: {  	s2 =	sld [smem:$0x3FD0];
	(tm) =	ssettm $0x1  }
0x91: {  	s18 =	sld [smem:$0x3FFB];
	_ =	sdelay $0x3  }
0x92: {  	_ =	strace s18  }
0x93: {  	s3 =	sld [smem:$0x3FFC];
	_ =	sdelay $0x3  }
0x94: {  	_ =	strace s3  }
0x95: {  	s3 =	sld [smem:$0x3FFD];
	_ =	sdelay $0x3  }
0x96: {  	_ =	strace s3  }
0x97: {  	_ =	strace $0x8FFFFFFF  }
0x98: {  	s19 =	sld [smem:$0x3FDB];
	_ =	sdelay $0x1  }
0x99: {  	s4 =	simm.s32 $_scs_section_size  }
0x9a: {  	s5 =	simm.s32 $_size__tile_overlayer_lowered;
	s6 =	simm.s32 $_tile_overlayer_lowered  }
0x9b: {  	s22 =	simm.s32 $0x1BFF;
	s21 =	sshll.u32 s6, $0x1;
	s3 =	sadd.s32 s4, s19  }
0x9c: {  	s7 =	simm.s32 $0x0;
	s20 =	sshll.u32 s5, $0x1;
	s5 =	sadd.s32 s21, s3  }
0x9d: {  	[timem:s7], [sflag:s22] =	dma.local [hbm:s5], s20  }
0x9e: {  	_ =	swait.ge [sflag:s22], s20  }
0x9f: {  	s4 =	ssub.s32 $0x0, s20;
	[sflag:s22] =	ssyncset.done $0x0  }
0xa0: {  	[sflag:s22] =	ssyncadd.s32 s4;
	_ =	sdelay $0x1  }
0xa1: {  	s23 =	simm.s32 $0x1B8B  }
0xa2: {  	_ =	swait.ge [sflag:s23], $0x1  }
0xa3: {  	[sflag:s23] =	ssyncset.done $0x0  }
0xa4: {  	s25 =	simm.s32 $0x1B8E;
	s24 =	sld [smem:$0x3FFE];
	[sflag:s23] =	ssyncadd.s32 $0xFFFFFFFF  }
0xa5: {  	s26 =	simm.s32 $execute0_lowered;
	[smem:$0x3FD2] =	sst s25  }
0xa6: {  	s5 =	sshll.u32 s26, $0x1;
	_ =	strace $0x80000046;
	[dreg:$0x1] =	wrdreg $0xFFFFFFFF  }
0xa7: {  	s28 =	simm.s32 $_size_execute0_lowered;
	s3 =	sadd.s32 s3, s5;
	[dreg:$0x0] =	wrdreg $0x0  }
0xa8: {  	s5 =	sshll.u32 s28, $0x1;
	[dreg:$0x2] =	wrdreg s3  }
0xa9: {  	[dreg:$0x3] =	wrdreg s5  }
0xaa: {  	[dreg:$0x4] =	wrdreg $0xC0  }
0xab: {  	_ =	task [dreg:s7], $0x5FFFF  }
0xac: {  	[dreg:$0x1] =	wrdreg $0xFFFFFFFF  }
0xad: {  	[dreg:$0x0] =	wrdreg $0x60  }
0xae: {  	[dreg:$0x2] =	wrdreg s2  }
0xaf: {  	[dreg:$0x3] =	wrdreg s24  }
0xb0: {  	[dreg:$0x4] =	wrdreg $0x9  }
0xb1: {  	_ =	task.clear_ibuf [dreg:s7], $0x5FFFF;
	_ =	strace $0x90000046  }
0xb2: {  	s29 =	simm.s32 $0x9;
	_ =	strace $0x80000048  }
0xb3: {  	_ =	swait.ge [sflag:s29], $0x1  }
0xb4: {  	[sflag:s29] =	ssyncadd.s32 $0xFFFFFFFF  }
0xb5: {  	_ =	strace $0x90000048  }
0xb6: {  	_ =	sfence  }
0xb7: {  	s30 =	sld [smem:$0x0];
	_ =	sdelay $0x2  }
0xb8: {  	s31 =	sshll.u32 s1, $0xD;
	s1 =	sshrl.u32 s1, $0x2  }
0xb9: {  	s3 =	sand.u32 $0x4000, s31;
	s1 =	sadd.s32 s1, s30  }
0xba: {  	s0 =	sor.u32 s3, s0;
	s1 =	sshll.u32 s1, $0x11  }
0xbb: {  	s0 =	sor.u32 s1, s0  }
0xbc: {  	s0 =	sadd.s32 $0x8F2B, s0  }
0xbd: {  	[sflag:s0] =	ssyncadd.remote.s32 $0x1  }
0xbe: {  	_ =	sfence.sel $0xFFFF  }
0xbf: {  	[dreg:$0x0] =	wrdreg $0xFFFFFFFF;
	(pc) =	sbr.abs _section_cstart, $3  }
0xc0: {  	[dreg:$0x1] =	wrdreg $0xFFFFFFFF  }
0xc1: {  	_ =	task.clear_ibuf [dreg:s7], $0x2FFFF;
	_ =	strace $0x9FFFFFFF  }
0xc2: {  	(tm) =	ssettm $0x7FFFFFFF  }
0xc3: {  	_ =	shalt  }
tec
execute0_lowered:
.L_overlay_start_1:
0x0: {  	(tag) =	ssettag $0x1  }
0x1: {  	s9 =	rddreg [dreg:$0x0]  }
0x2: {  	s4 =	rddreg [dreg:$0x1]  }
0x3: {  	s0 =	rddreg [dreg:$0x2]  }
0x4: {  	s2 =	simm.s32 $0x0;
	s3 =	srdreg.scid;
	s1 =	stileid.u32  }
0x5: {  	s15 =	simm.s32 $0x1;
	s16 =	simm.s32 $0x4080;
	s17 =	simm.s32 $0x8080  }
0x6: {  	s18 =	simm.s32 $0x2;
	s19 =	simm.s32 $0xC080;
	s20 =	simm.s32 $0x3  }
0x7: {  	s21 =	simm.s32 $0x4;
	s22 =	simm.s32 $0x0;
	[smem:$0x7FF] =	sst s2  }
0x8: {  	s3 =	sand.u32 $0x1, s3;
	s6 =	sshll.u32 s1, $0xE;
	s11 =	sadd.s32 $0x80A00, s4  }
0x9: {  	_ =	strace $0x80000047;
	s5 =	ssub.s32 $0x2, s3;
	s7 =	sshll.u32 s3, $0xD  }
0xa: {  	s3 =	sadd.s32 $0x80800, s4;
	s8 =	sshrl.u32 s5, $0x1;
	s10 =	sor.u32 s7, s6  }
0xb: {  	s12 =	ssub.s32 s5, s8;
	s31 =	sor.u32 $0x800, s10;
	s4 =	sadd.s32 s9, s10  }
0xc: {  	s13 =	sor.u32 $0x1000, s10;
	s6 =	sadd.s32 s11, s10;
	s14 =	sor.u32 $0x1800, s10  }
0xd: {  	s5 =	sadd.s32 s9, s31;
	s7 =	sadd.s32 s9, s13;
	s8 =	sadd.s32 s11, s31  }
0xe: {  	s9 =	sadd.s32 s9, s14;
	s10 =	sadd.s32 s11, s13;
	s11 =	sadd.s32 s11, s14  }
0xf: {  	s12 =	smax.u32 s12, $0x1;
	s13 =	simm.s32 $0x5;
	s14 =	simm.s32 $0x80  }
.LBB2_1:
0x10: {  	[tilespmem:s2], [sflag:$0x5] =	stream.linear.gather [hbm4b:s3+s2], $0x80, $0x38;
	[tilespmem:$0x10080] =	vst v63  }
0x11: {  	_ =	swait.ge [sflag:s13], $0x80  }
0x12: {  	[sflag:s13] =	ssyncset.done $0x0  }
0x13: {  	[sflag:s13] =	ssyncadd.s32 $0xFFFFFF80  }
0x14: {  	[tilespmem:s14], [sflag:$0x1] =	stream.linear.gather [hbm4b:s4+s2], $0x4000, $0x38;
	[tilespmem:$0x10080] =	vst v63  }
0x15: {  	_ =	swait.ge [sflag:s15], $0x4000  }
0x16: {  	s23 =	sand.u32 $0x3800, s2;
	s24 =	sand.u32 $0x380, s2;
	[sflag:s15] =	ssyncset.done $0x0  }
0x17: {  	s23 =	sor.u32 s24, s23;
	[sflag:s15] =	ssyncadd.s32 $0xFFFFC000  }
0x18: {  	[tilespmem:s16], [sflag:$0x2] =	stream.linear.gather [hbm4b:s5+s2], $0x4000, $0x38;
	[tilespmem:$0x10080] =	vst v63  }
0x19: {  	v0 =	vld [tilespmem:s23+$0x80];
	_ =	sdelay $0x4  }
0x1a: {  	vm0 =	vgt.s32 v0, $0x0  }
0x1b: {  	v1 =	vld [tilespmem:s23+$0x90];
	v0 =	vnsel vm0, $0x0, v0  }
0x1c: {  	v0 =	vmin.u32 v0, $0x22;
	_ =	sdelay $0x3  }
0x1d: {  	vm0 =	vgt.s32 v1, $0x0  }
0x1e: {  	v1 =	vnsel vm0, $0x0, v1;
	v0 =	vld.idx.msk [tilespmem:v0+s2+$0x0], $0xffff  }
0x1f: {  	v2 =	vld [tilespmem:s23+$0xA0];
	v1 =	vmin.u32 v1, $0x22;
	_ =	sdelay $0x3  }
0x20: {  	[tilespmem:s23+$0x8080] =	vst v0  }
0x21: {  	vm0 =	vgt.s32 v2, $0x0;
	v0 =	vld.idx.msk [tilespmem:v1+s2+$0x0], $0xffff  }
0x22: {  	v1 =	vnsel vm0, $0x0, v2;
	v2 =	vld [tilespmem:s23+$0xB0]  }
0x23: {  	v1 =	vmin.u32 v1, $0x22;
	_ =	sdelay $0x3  }
0x24: {  	[tilespmem:s23+$0x8090] =	vst v0;
	vm0 =	vgt.s32 v2, $0x0  }
0x25: {  	v0 =	vld.idx.msk [tilespmem:v1+s2+$0x0], $0xffff;
	v1 =	vnsel vm0, $0x0, v2  }
0x26: {  	v2 =	vld [tilespmem:s23+$0xC0];
	v1 =	vmin.u32 v1, $0x22;
	_ =	sdelay $0x3  }
0x27: {  	[tilespmem:s23+$0x80A0] =	vst v0  }
0x28: {  	vm0 =	vgt.s32 v2, $0x0;
	v0 =	vld.idx.msk [tilespmem:v1+s2+$0x0], $0xffff  }
0x29: {  	v1 =	vnsel vm0, $0x0, v2;
	v2 =	vld [tilespmem:s23+$0xD0]  }
0x2a: {  	v1 =	vmin.u32 v1, $0x22;
	_ =	sdelay $0x3  }
0x2b: {  	[tilespmem:s23+$0x80B0] =	vst v0;
	vm0 =	vgt.s32 v2, $0x0  }
0x2c: {  	v0 =	vld.idx.msk [tilespmem:v1+s2+$0x0], $0xffff;
	v1 =	vnsel vm0, $0x0, v2  }
0x2d: {  	v2 =	vld [tilespmem:s23+$0xE0];
	v1 =	vmin.u32 v1, $0x22;
	_ =	sdelay $0x3  }
0x2e: {  	[tilespmem:s23+$0x80C0] =	vst v0  }
0x2f: {  	vm0 =	vgt.s32 v2, $0x0;
	v0 =	vld.idx.msk [tilespmem:v1+s2+$0x0], $0xffff  }
0x30: {  	v1 =	vnsel vm0, $0x0, v2;
	v2 =	vld [tilespmem:s23+$0xF0]  }
0x31: {  	v1 =	vmin.u32 v1, $0x22;
	_ =	sdelay $0x3  }
0x32: {  	[tilespmem:s23+$0x80D0] =	vst v0;
	vm0 =	vgt.s32 v2, $0x0  }
0x33: {  	v0 =	vld.idx.msk [tilespmem:v1+s2+$0x0], $0xffff;
	v1 =	vnsel vm0, $0x0, v2  }
0x34: {  	v2 =	vld [tilespmem:s23+$0x480];
	v1 =	vmin.u32 v1, $0x22;
	_ =	sdelay $0x3  }
0x35: {  	[tilespmem:s23+$0x80E0] =	vst v0  }
0x36: {  	vm0 =	vgt.s32 v2, $0x0;
	v0 =	vld.idx.msk [tilespmem:v1+s2+$0x0], $0xffff  }
0x37: {  	v1 =	vnsel vm0, $0x0, v2;
	v2 =	vld [tilespmem:s23+$0x490]  }
0x38: {  	v1 =	vmin.u32 v1, $0x22;
	_ =	sdelay $0x3  }
0x39: {  	[tilespmem:s23+$0x80F0] =	vst v0;
	vm0 =	vgt.s32 v2, $0x0  }
0x3a: {  	v0 =	vld.idx.msk [tilespmem:v1+s2+$0x0], $0xffff;
	v1 =	vnsel vm0, $0x0, v2  }
0x3b: {  	v2 =	vld [tilespmem:s23+$0x4A0];
	v1 =	vmin.u32 v1, $0x22;
	_ =	sdelay $0x3  }
0x3c: {  	[tilespmem:s23+$0x8480] =	vst v0  }
0x3d: {  	vm0 =	vgt.s32 v2, $0x0;
	v0 =	vld.idx.msk [tilespmem:v1+s2+$0x0], $0xffff  }
0x3e: {  	v1 =	vnsel vm0, $0x0, v2;
	v2 =	vld [tilespmem:s23+$0x4B0]  }
0x3f: {  	v1 =	vmin.u32 v1, $0x22;
	_ =	sdelay $0x3  }
0x40: {  	[tilespmem:s23+$0x8490] =	vst v0;
	vm0 =	vgt.s32 v2, $0x0  }
0x41: {  	v1 =	vld.idx.msk [tilespmem:v1+s2+$0x0], $0xffff;
	v0 =	vnsel vm0, $0x0, v2  }
0x42: {  	v2 =	vmin.u32 v0, $0x22;
	v0 =	vld [tilespmem:s23+$0x4B8];
	_ =	sdelay $0x3  }
0x43: {  	s25 =	simm.s32 $0x100;
	s24 =	simm.s32 $0x80;
	[tilespmem:s23+$0x84A0] =	vst v1  }
0x44: {  	s26 =	sand.u32 $0x3800, s25;
	s25 =	simm.s32 $0x200;
	s28 =	sand.u32 $0x380, s24;
	v1 =	vld.idx.msk [tilespmem:v2+s2+$0x0], $0xffff;
	vm0 =	vgt.s32 v0, $0x0  }
.LBB2_2:
0x45: {  	p0 =	sne.s32 s25, $0x3F00;
	s26 =	sor.u32 s28, s26;
	v0 =	vnsel vm0, $0x0, v0  }
0x46: {  	v2 =	vld [tilespmem:s26+$0x80];
	v0 =	vmin.u32 v0, $0x22;
	_ =	sdelay $0x3  }
0x47: {  	[tilespmem:s23+$0x84B0] =	vst v1  }
0x48: {  	vm0 =	vgt.s32 v2, $0x0;
	v0 =	vld.idx.msk [tilespmem:v0+s2+$0x0], $0xffff  }
0x49: {  	v1 =	vnsel vm0, $0x0, v2  }
0x4a: {  	v1 =	vmin.u32 v1, $0x22;
	v2 =	vld [tilespmem:s26+$0x90];
	_ =	sdelay $0x3  }
0x4b: {  	[tilespmem:s23+$0x84B8] =	vst v0;
	s23 =	smov.u32 s26  }
0x4c: {  	v0 =	vld.idx.msk [tilespmem:v1+s2+$0x0], $0xffff;
	vm0 =	vgt.s32 v2, $0x0  }
0x4d: {  	v1 =	vnsel vm0, $0x0, v2  }
0x4e: {  	v1 =	vmin.u32 v1, $0x22;
	v2 =	vld [tilespmem:s23+$0xA0];
	_ =	sdelay $0x3  }
0x4f: {  	[tilespmem:s23+$0x8080] =	vst v0  }
0x50: {  	v0 =	vld.idx.msk [tilespmem:v1+s2+$0x0], $0xffff;
	vm0 =	vgt.s32 v2, $0x0  }
0x51: {  	v1 =	vnsel vm0, $0x0, v2  }
0x52: {  	v1 =	vmin.u32 v1, $0x22;
	v2 =	vld [tilespmem:s23+$0xB0];
	_ =	sdelay $0x3  }
0x53: {  	[tilespmem:s23+$0x8090] =	vst v0  }
0x54: {  	v0 =	vld.idx.msk [tilespmem:v1+s2+$0x0], $0xffff;
	vm0 =	vgt.s32 v2, $0x0  }
0x55: {  	v1 =	vnsel vm0, $0x0, v2  }
0x56: {  	v1 =	vmin.u32 v1, $0x22;
	v2 =	vld [tilespmem:s23+$0xC0];
	_ =	sdelay $0x3  }
0x57: {  	[tilespmem:s23+$0x80A0] =	vst v0  }
0x58: {  	v0 =	vld.idx.msk [tilespmem:v1+s2+$0x0], $0xffff;
	vm0 =	vgt.s32 v2, $0x0  }
0x59: {  	v1 =	vnsel vm0, $0x0, v2  }
0x5a: {  	v1 =	vmin.u32 v1, $0x22;
	v2 =	vld [tilespmem:s23+$0xD0];
	_ =	sdelay $0x3  }
0x5b: {  	[tilespmem:s23+$0x80B0] =	vst v0  }
0x5c: {  	v0 =	vld.idx.msk [tilespmem:v1+s2+$0x0], $0xffff;
	vm0 =	vgt.s32 v2, $0x0  }
0x5d: {  	v1 =	vnsel vm0, $0x0, v2  }
0x5e: {  	v1 =	vmin.u32 v1, $0x22;
	v2 =	vld [tilespmem:s23+$0xE0];
	_ =	sdelay $0x3  }
0x5f: {  	[tilespmem:s23+$0x80C0] =	vst v0  }
0x60: {  	v0 =	vld.idx.msk [tilespmem:v1+s2+$0x0], $0xffff;
	vm0 =	vgt.s32 v2, $0x0  }
0x61: {  	v1 =	vnsel vm0, $0x0, v2  }
0x62: {  	v1 =	vmin.u32 v1, $0x22;
	v2 =	vld [tilespmem:s23+$0xF0];
	_ =	sdelay $0x3  }
0x63: {  	[tilespmem:s23+$0x80D0] =	vst v0  }
0x64: {  	v0 =	vld.idx.msk [tilespmem:v1+s2+$0x0], $0xffff;
	vm0 =	vgt.s32 v2, $0x0  }
0x65: {  	v1 =	vnsel vm0, $0x0, v2  }
0x66: {  	v1 =	vmin.u32 v1, $0x22;
	v2 =	vld [tilespmem:s23+$0x480];
	_ =	sdelay $0x3  }
0x67: {  	[tilespmem:s23+$0x80E0] =	vst v0  }
0x68: {  	v0 =	vld.idx.msk [tilespmem:v1+s2+$0x0], $0xffff;
	vm0 =	vgt.s32 v2, $0x0  }
0x69: {  	v1 =	vnsel vm0, $0x0, v2  }
0x6a: {  	v1 =	vmin.u32 v1, $0x22;
	v2 =	vld [tilespmem:s23+$0x490];
	_ =	sdelay $0x3  }
0x6b: {  	[tilespmem:s23+$0x80F0] =	vst v0  }
0x6c: {  	v0 =	vld.idx.msk [tilespmem:v1+s2+$0x0], $0xffff;
	vm0 =	vgt.s32 v2, $0x0  }
0x6d: {  	v1 =	vnsel vm0, $0x0, v2  }
0x6e: {  	v1 =	vmin.u32 v1, $0x22;
	v2 =	vld [tilespmem:s23+$0x4A0];
	_ =	sdelay $0x3  }
0x6f: {  	[tilespmem:s23+$0x8480] =	vst v0  }
0x70: {  	v0 =	vld.idx.msk [tilespmem:v1+s2+$0x0], $0xffff;
	vm0 =	vgt.s32 v2, $0x0  }
0x71: {  	v1 =	vnsel vm0, $0x0, v2  }
0x72: {  	v1 =	vmin.u32 v1, $0x22;
	v2 =	vld [tilespmem:s23+$0x4B0];
	_ =	sdelay $0x3  }
0x73: {  	[tilespmem:s23+$0x8490] =	vst v0  }
0x74: {  	v1 =	vld.idx.msk [tilespmem:v1+s2+$0x0], $0xffff;
	vm0 =	vgt.s32 v2, $0x0  }
0x75: {  	v0 =	vnsel vm0, $0x0, v2  }
0x76: {  	v2 =	vmin.u32 v0, $0x22;
	v0 =	vld [tilespmem:s23+$0x4B8]  }
.Ltmp0:
0x77: {  	(pc) =	sbr.rel @p0 .LBB2_2-.Ltmp0, $3  }
0x78: {  	_ =	sdelay $0x1  }
0x79: {  	s24 =	sadd.s32 $0x80, s24;
	[tilespmem:s23+$0x84A0] =	vst v1  }
0x7a: {  	s28 =	sand.u32 $0x380, s24;
	s26 =	sand.u32 $0x3800, s25;
	s25 =	sadd.s32 $0x100, s25;
	v1 =	vld.idx.msk [tilespmem:v2+s2+$0x0], $0xffff;
	vm0 =	vgt.s32 v0, $0x0  }
0x7b: {  	s24 =	sor.u32 s28, s26  }
0x7c: {  	v0 =	vnsel vm0, $0x0, v0;
	v2 =	vld [tilespmem:s24+$0x80]  }
0x7d: {  	v0 =	vmin.u32 v0, $0x22;
	_ =	sdelay $0x3  }
0x7e: {  	[tilespmem:s23+$0x84B0] =	vst v1;
	vm0 =	vgt.s32 v2, $0x0  }
0x7f: {  	v0 =	vld.idx.msk [tilespmem:v0+s2+$0x0], $0xffff;
	v1 =	vnsel vm0, $0x0, v2  }
0x80: {  	v2 =	vld [tilespmem:s24+$0x90];
	v1 =	vmin.u32 v1, $0x22;
	_ =	sdelay $0x3  }
0x81: {  	[tilespmem:s23+$0x84B8] =	vst v0  }
0x82: {  	vm0 =	vgt.s32 v2, $0x0;
	v0 =	vld.idx.msk [tilespmem:v1+s2+$0x0], $0xffff  }
0x83: {  	v1 =	vnsel vm0, $0x0, v2;
	v2 =	vld [tilespmem:s24+$0xA0]  }
0x84: {  	v1 =	vmin.u32 v1, $0x22;
	_ =	sdelay $0x3  }
0x85: {  	[tilespmem:s24+$0x8080] =	vst v0;
	vm0 =	vgt.s32 v2, $0x0  }
0x86: {  	v0 =	vld.idx.msk [tilespmem:v1+s2+$0x0], $0xffff;
	v1 =	vnsel vm0, $0x0, v2  }
0x87: {  	v2 =	vld [tilespmem:s24+$0xB0];
	v1 =	vmin.u32 v1, $0x22;
	_ =	sdelay $0x3  }
0x88: {  	[tilespmem:s24+$0x8090] =	vst v0  }
0x89: {  	vm0 =	vgt.s32 v2, $0x0;
	v0 =	vld.idx.msk [tilespmem:v1+s2+$0x0], $0xffff  }
0x8a: {  	v1 =	vnsel vm0, $0x0, v2;
	v2 =	vld [tilespmem:s24+$0xC0]  }
0x8b: {  	v1 =	vmin.u32 v1, $0x22;
	_ =	sdelay $0x3  }
0x8c: {  	[tilespmem:s24+$0x80A0] =	vst v0;
	vm0 =	vgt.s32 v2, $0x0  }
0x8d: {  	v0 =	vld.idx.msk [tilespmem:v1+s2+$0x0], $0xffff;
	v1 =	vnsel vm0, $0x0, v2  }
0x8e: {  	v2 =	vld [tilespmem:s24+$0xD0];
	v1 =	vmin.u32 v1, $0x22;
	_ =	sdelay $0x3  }
0x8f: {  	[tilespmem:s24+$0x80B0] =	vst v0  }
0x90: {  	vm0 =	vgt.s32 v2, $0x0;
	v0 =	vld.idx.msk [tilespmem:v1+s2+$0x0], $0xffff  }
0x91: {  	v1 =	vnsel vm0, $0x0, v2;
	v2 =	vld [tilespmem:s24+$0xE0]  }
0x92: {  	v1 =	vmin.u32 v1, $0x22;
	_ =	sdelay $0x3  }
0x93: {  	[tilespmem:s24+$0x80C0] =	vst v0;
	vm0 =	vgt.s32 v2, $0x0  }
0x94: {  	v0 =	vld.idx.msk [tilespmem:v1+s2+$0x0], $0xffff;
	v1 =	vnsel vm0, $0x0, v2  }
0x95: {  	v2 =	vld [tilespmem:s24+$0xF0];
	v1 =	vmin.u32 v1, $0x22;
	_ =	sdelay $0x3  }
0x96: {  	[tilespmem:s24+$0x80D0] =	vst v0  }
0x97: {  	vm0 =	vgt.s32 v2, $0x0;
	v0 =	vld.idx.msk [tilespmem:v1+s2+$0x0], $0xffff  }
0x98: {  	v1 =	vnsel vm0, $0x0, v2;
	v2 =	vld [tilespmem:s24+$0x480]  }
0x99: {  	v1 =	vmin.u32 v1, $0x22;
	_ =	sdelay $0x3  }
0x9a: {  	[tilespmem:s24+$0x80E0] =	vst v0;
	vm0 =	vgt.s32 v2, $0x0  }
0x9b: {  	v0 =	vld.idx.msk [tilespmem:v1+s2+$0x0], $0xffff;
	v1 =	vnsel vm0, $0x0, v2  }
0x9c: {  	v2 =	vld [tilespmem:s24+$0x490];
	v1 =	vmin.u32 v1, $0x22;
	_ =	sdelay $0x3  }
0x9d: {  	[tilespmem:s24+$0x80F0] =	vst v0  }
0x9e: {  	vm0 =	vgt.s32 v2, $0x0;
	v0 =	vld.idx.msk [tilespmem:v1+s2+$0x0], $0xffff  }
0x9f: {  	v1 =	vnsel vm0, $0x0, v2;
	v2 =	vld [tilespmem:s24+$0x4A0]  }
0xa0: {  	v1 =	vmin.u32 v1, $0x22;
	_ =	sdelay $0x3  }
0xa1: {  	[tilespmem:s24+$0x8480] =	vst v0;
	vm0 =	vgt.s32 v2, $0x0  }
0xa2: {  	v0 =	vld.idx.msk [tilespmem:v1+s2+$0x0], $0xffff;
	v1 =	vnsel vm0, $0x0, v2  }
0xa3: {  	v2 =	vld [tilespmem:s24+$0x4B0];
	v1 =	vmin.u32 v1, $0x22;
	_ =	sdelay $0x3  }
0xa4: {  	[tilespmem:s24+$0x8490] =	vst v0  }
0xa5: {  	vm0 =	vgt.s32 v2, $0x0;
	v0 =	vld.idx.msk [tilespmem:v1+s2+$0x0], $0xffff  }
0xa6: {  	v1 =	vnsel vm0, $0x0, v2;
	v2 =	vld [tilespmem:s24+$0x4B8]  }
0xa7: {  	v1 =	vmin.u32 v1, $0x22;
	_ =	sdelay $0x3  }
0xa8: {  	[tilespmem:s24+$0x84A0] =	vst v0;
	vm0 =	vgt.s32 v2, $0x0  }
0xa9: {  	v0 =	vld.idx.msk [tilespmem:v1+s2+$0x0], $0xffff;
	v1 =	vnsel vm0, $0x0, v2  }
0xaa: {  	v1 =	vmin.u32 v1, $0x22;
	_ =	sdelay $0x3  }
0xab: {  	[tilespmem:s24+$0x84B0] =	vst v0  }
0xac: {  	v0 =	vld.idx.msk [tilespmem:v1+s2+$0x0], $0xffff;
	_ =	sdelay $0x4  }
0xad: {  	s30 =	simm.s32 $0x0;
	[tilespmem:s24+$0x84B8] =	vst v0  }
0xae: {  	[hbm4b:s6+s30] =	stream.linear.scatter [tilespmem:s17], [sflag:$0x3], $0x4000, $0x38;
	[tilespmem:$0x10080] =	vst v63  }
0xaf: {  	_ =	swait.ge [sflag:s18], $0x4000  }
0xb0: {  	s31 =	sand.u32 $0x3800, s30;
	s23 =	sand.u32 $0x380, s30;
	[sflag:s18] =	ssyncset.done $0x0  }
0xb1: {  	s23 =	sor.u32 s23, s31;
	[sflag:s18] =	ssyncadd.s32 $0xFFFFC000  }
0xb2: {  	[tilespmem:s14], [sflag:$0x1] =	stream.linear.gather [hbm4b:s7+s30], $0x4000, $0x38;
	[tilespmem:$0x10080] =	vst v63  }
0xb3: {  	v0 =	vld [tilespmem:s23+$0x4080];
	_ =	sdelay $0x4  }
0xb4: {  	vm0 =	vgt.s32 v0, $0x0  }
0xb5: {  	v1 =	vld [tilespmem:s23+$0x4090];
	v0 =	vnsel vm0, $0x0, v0  }
0xb6: {  	v0 =	vmin.u32 v0, $0x22;
	_ =	sdelay $0x3  }
0xb7: {  	vm0 =	vgt.s32 v1, $0x0  }
0xb8: {  	v1 =	vnsel vm0, $0x0, v1;
	v0 =	vld.idx.msk [tilespmem:v0+s2+$0x0], $0xffff  }
0xb9: {  	v2 =	vld [tilespmem:s23+$0x40A0];
	v1 =	vmin.u32 v1, $0x22;
	_ =	sdelay $0x3  }
0xba: {  	[tilespmem:s23+$0xC080] =	vst v0  }
0xbb: {  	vm0 =	vgt.s32 v2, $0x0;
	v0 =	vld.idx.msk [tilespmem:v1+s2+$0x0], $0xffff  }
0xbc: {  	v1 =	vnsel vm0, $0x0, v2;
	v2 =	vld [tilespmem:s23+$0x40B0]  }
0xbd: {  	v1 =	vmin.u32 v1, $0x22;
	_ =	sdelay $0x3  }
0xbe: {  	[tilespmem:s23+$0xC090] =	vst v0;
	vm0 =	vgt.s32 v2, $0x0  }
0xbf: {  	v0 =	vld.idx.msk [tilespmem:v1+s2+$0x0], $0xffff;
	v1 =	vnsel vm0, $0x0, v2  }
0xc0: {  	v2 =	vld [tilespmem:s23+$0x40C0];
	v1 =	vmin.u32 v1, $0x22;
	_ =	sdelay $0x3  }
0xc1: {  	[tilespmem:s23+$0xC0A0] =	vst v0  }
0xc2: {  	vm0 =	vgt.s32 v2, $0x0;
	v0 =	vld.idx.msk [tilespmem:v1+s2+$0x0], $0xffff  }
0xc3: {  	v1 =	vnsel vm0, $0x0, v2;
	v2 =	vld [tilespmem:s23+$0x40D0]  }
0xc4: {  	v1 =	vmin.u32 v1, $0x22;
	_ =	sdelay $0x3  }
0xc5: {  	[tilespmem:s23+$0xC0B0] =	vst v0;
	vm0 =	vgt.s32 v2, $0x0  }
0xc6: {  	v0 =	vld.idx.msk [tilespmem:v1+s2+$0x0], $0xffff;
	v1 =	vnsel vm0, $0x0, v2  }
0xc7: {  	v2 =	vld [tilespmem:s23+$0x40E0];
	v1 =	vmin.u32 v1, $0x22;
	_ =	sdelay $0x3  }
0xc8: {  	[tilespmem:s23+$0xC0C0] =	vst v0  }
0xc9: {  	vm0 =	vgt.s32 v2, $0x0;
	v0 =	vld.idx.msk [tilespmem:v1+s2+$0x0], $0xffff  }
0xca: {  	v1 =	vnsel vm0, $0x0, v2;
	v2 =	vld [tilespmem:s23+$0x40F0]  }
0xcb: {  	v1 =	vmin.u32 v1, $0x22;
	_ =	sdelay $0x3  }
0xcc: {  	[tilespmem:s23+$0xC0D0] =	vst v0;
	vm0 =	vgt.s32 v2, $0x0  }
0xcd: {  	v0 =	vld.idx.msk [tilespmem:v1+s2+$0x0], $0xffff;
	v1 =	vnsel vm0, $0x0, v2  }
0xce: {  	v2 =	vld [tilespmem:s23+$0x4480];
	v1 =	vmin.u32 v1, $0x22;
	_ =	sdelay $0x3  }
0xcf: {  	[tilespmem:s23+$0xC0E0] =	vst v0  }
0xd0: {  	vm0 =	vgt.s32 v2, $0x0;
	v0 =	vld.idx.msk [tilespmem:v1+s2+$0x0], $0xffff  }
0xd1: {  	v1 =	vnsel vm0, $0x0, v2;
	v2 =	vld [tilespmem:s23+$0x4490]  }
0xd2: {  	v1 =	vmin.u32 v1, $0x22;
	_ =	sdelay $0x3  }
0xd3: {  	[tilespmem:s23+$0xC0F0] =	vst v0;
	vm0 =	vgt.s32 v2, $0x0  }
0xd4: {  	v0 =	vld.idx.msk [tilespmem:v1+s2+$0x0], $0xffff;
	v1 =	vnsel vm0, $0x0, v2  }
0xd5: {  	v2 =	vld [tilespmem:s23+$0x44A0];
	v1 =	vmin.u32 v1, $0x22;
	_ =	sdelay $0x3  }
0xd6: {  	[tilespmem:s23+$0xC480] =	vst v0  }
0xd7: {  	vm0 =	vgt.s32 v2, $0x0;
	v0 =	vld.idx.msk [tilespmem:v1+s2+$0x0], $0xffff  }
0xd8: {  	v1 =	vnsel vm0, $0x0, v2;
	v2 =	vld [tilespmem:s23+$0x44B0]  }
0xd9: {  	v1 =	vmin.u32 v1, $0x22;
	_ =	sdelay $0x3  }
0xda: {  	[tilespmem:s23+$0xC490] =	vst v0;
	vm0 =	vgt.s32 v2, $0x0  }
0xdb: {  	v1 =	vld.idx.msk [tilespmem:v1+s2+$0x0], $0xffff;
	v0 =	vnsel vm0, $0x0, v2  }
0xdc: {  	v2 =	vmin.u32 v0, $0x22;
	v0 =	vld [tilespmem:s23+$0x44B8];
	_ =	sdelay $0x3  }
0xdd: {  	s25 =	simm.s32 $0x100;
	s24 =	simm.s32 $0x80;
	[tilespmem:s23+$0xC4A0] =	vst v1  }
0xde: {  	s26 =	sand.u32 $0x3800, s25;
	s25 =	simm.s32 $0x200;
	s28 =	sand.u32 $0x380, s24;
	v1 =	vld.idx.msk [tilespmem:v2+s2+$0x0], $0xffff;
	vm0 =	vgt.s32 v0, $0x0  }
.LBB2_4:
0xdf: {  	p0 =	sne.s32 s25, $0x3F00;
	s26 =	sor.u32 s28, s26;
	v0 =	vnsel vm0, $0x0, v0  }
0xe0: {  	v2 =	vld [tilespmem:s26+$0x4080];
	v0 =	vmin.u32 v0, $0x22;
	_ =	sdelay $0x3  }
0xe1: {  	[tilespmem:s23+$0xC4B0] =	vst v1  }
0xe2: {  	vm0 =	vgt.s32 v2, $0x0;
	v0 =	vld.idx.msk [tilespmem:v0+s2+$0x0], $0xffff  }
0xe3: {  	v1 =	vnsel vm0, $0x0, v2  }
0xe4: {  	v1 =	vmin.u32 v1, $0x22;
	v2 =	vld [tilespmem:s26+$0x4090];
	_ =	sdelay $0x3  }
0xe5: {  	[tilespmem:s23+$0xC4B8] =	vst v0;
	s23 =	smov.u32 s26  }
0xe6: {  	v0 =	vld.idx.msk [tilespmem:v1+s2+$0x0], $0xffff;
	vm0 =	vgt.s32 v2, $0x0  }
0xe7: {  	v1 =	vnsel vm0, $0x0, v2  }
0xe8: {  	v1 =	vmin.u32 v1, $0x22;
	v2 =	vld [tilespmem:s23+$0x40A0];
	_ =	sdelay $0x3  }
0xe9: {  	[tilespmem:s23+$0xC080] =	vst v0  }
0xea: {  	v0 =	vld.idx.msk [tilespmem:v1+s2+$0x0], $0xffff;
	vm0 =	vgt.s32 v2, $0x0  }
0xeb: {  	v1 =	vnsel vm0, $0x0, v2  }
0xec: {  	v1 =	vmin.u32 v1, $0x22;
	v2 =	vld [tilespmem:s23+$0x40B0];
	_ =	sdelay $0x3  }
0xed: {  	[tilespmem:s23+$0xC090] =	vst v0  }
0xee: {  	v0 =	vld.idx.msk [tilespmem:v1+s2+$0x0], $0xffff;
	vm0 =	vgt.s32 v2, $0x0  }
0xef: {  	v1 =	vnsel vm0, $0x0, v2  }
0xf0: {  	v1 =	vmin.u32 v1, $0x22;
	v2 =	vld [tilespmem:s23+$0x40C0];
	_ =	sdelay $0x3  }
0xf1: {  	[tilespmem:s23+$0xC0A0] =	vst v0  }
0xf2: {  	v0 =	vld.idx.msk [tilespmem:v1+s2+$0x0], $0xffff;
	vm0 =	vgt.s32 v2, $0x0  }
0xf3: {  	v1 =	vnsel vm0, $0x0, v2  }
0xf4: {  	v1 =	vmin.u32 v1, $0x22;
	v2 =	vld [tilespmem:s23+$0x40D0];
	_ =	sdelay $0x3  }
0xf5: {  	[tilespmem:s23+$0xC0B0] =	vst v0  }
0xf6: {  	v0 =	vld.idx.msk [tilespmem:v1+s2+$0x0], $0xffff;
	vm0 =	vgt.s32 v2, $0x0  }
0xf7: {  	v1 =	vnsel vm0, $0x0, v2  }
0xf8: {  	v1 =	vmin.u32 v1, $0x22;
	v2 =	vld [tilespmem:s23+$0x40E0];
	_ =	sdelay $0x3  }
0xf9: {  	[tilespmem:s23+$0xC0C0] =	vst v0  }
0xfa: {  	v0 =	vld.idx.msk [tilespmem:v1+s2+$0x0], $0xffff;
	vm0 =	vgt.s32 v2, $0x0  }
0xfb: {  	v1 =	vnsel vm0, $0x0, v2  }
0xfc: {  	v1 =	vmin.u32 v1, $0x22;
	v2 =	vld [tilespmem:s23+$0x40F0];
	_ =	sdelay $0x3  }
0xfd: {  	[tilespmem:s23+$0xC0D0] =	vst v0  }
0xfe: {  	v0 =	vld.idx.msk [tilespmem:v1+s2+$0x0], $0xffff;
	vm0 =	vgt.s32 v2, $0x0  }
0xff: {  	v1 =	vnsel vm0, $0x0, v2  }
0x100: {  	v1 =	vmin.u32 v1, $0x22;
	v2 =	vld [tilespmem:s23+$0x4480];
	_ =	sdelay $0x3  }
0x101: {  	[tilespmem:s23+$0xC0E0] =	vst v0  }
0x102: {  	v0 =	vld.idx.msk [tilespmem:v1+s2+$0x0], $0xffff;
	vm0 =	vgt.s32 v2, $0x0  }
0x103: {  	v1 =	vnsel vm0, $0x0, v2  }
0x104: {  	v1 =	vmin.u32 v1, $0x22;
	v2 =	vld [tilespmem:s23+$0x4490];
	_ =	sdelay $0x3  }
0x105: {  	[tilespmem:s23+$0xC0F0] =	vst v0  }
0x106: {  	v0 =	vld.idx.msk [tilespmem:v1+s2+$0x0], $0xffff;
	vm0 =	vgt.s32 v2, $0x0  }
0x107: {  	v1 =	vnsel vm0, $0x0, v2  }
0x108: {  	v1 =	vmin.u32 v1, $0x22;
	v2 =	vld [tilespmem:s23+$0x44A0];
	_ =	sdelay $0x3  }
0x109: {  	[tilespmem:s23+$0xC480] =	vst v0  }
0x10a: {  	v0 =	vld.idx.msk [tilespmem:v1+s2+$0x0], $0xffff;
	vm0 =	vgt.s32 v2, $0x0  }
0x10b: {  	v1 =	vnsel vm0, $0x0, v2  }
0x10c: {  	v1 =	vmin.u32 v1, $0x22;
	v2 =	vld [tilespmem:s23+$0x44B0];
	_ =	sdelay $0x3  }
0x10d: {  	[tilespmem:s23+$0xC490] =	vst v0  }
0x10e: {  	v1 =	vld.idx.msk [tilespmem:v1+s2+$0x0], $0xffff;
	vm0 =	vgt.s32 v2, $0x0  }
0x10f: {  	v0 =	vnsel vm0, $0x0, v2  }
0x110: {  	v2 =	vmin.u32 v0, $0x22;
	v0 =	vld [tilespmem:s23+$0x44B8]  }
.Ltmp1:
0x111: {  	(pc) =	sbr.rel @p0 .LBB2_4-.Ltmp1, $3  }
0x112: {  	_ =	sdelay $0x1  }
0x113: {  	s24 =	sadd.s32 $0x80, s24;
	[tilespmem:s23+$0xC4A0] =	vst v1  }
0x114: {  	s28 =	sand.u32 $0x380, s24;
	s26 =	sand.u32 $0x3800, s25;
	s25 =	sadd.s32 $0x100, s25;
	v1 =	vld.idx.msk [tilespmem:v2+s2+$0x0], $0xffff;
	vm0 =	vgt.s32 v0, $0x0  }
0x115: {  	s24 =	sor.u32 s28, s26  }
0x116: {  	v0 =	vnsel vm0, $0x0, v0;
	v2 =	vld [tilespmem:s24+$0x4080]  }
0x117: {  	v0 =	vmin.u32 v0, $0x22;
	_ =	sdelay $0x3  }
0x118: {  	[tilespmem:s23+$0xC4B0] =	vst v1;
	vm0 =	vgt.s32 v2, $0x0  }
0x119: {  	v0 =	vld.idx.msk [tilespmem:v0+s2+$0x0], $0xffff;
	v1 =	vnsel vm0, $0x0, v2  }
0x11a: {  	v2 =	vld [tilespmem:s24+$0x4090];
	v1 =	vmin.u32 v1, $0x22;
	_ =	sdelay $0x3  }
0x11b: {  	[tilespmem:s23+$0xC4B8] =	vst v0  }
0x11c: {  	vm0 =	vgt.s32 v2, $0x0;
	v0 =	vld.idx.msk [tilespmem:v1+s2+$0x0], $0xffff  }
0x11d: {  	v1 =	vnsel vm0, $0x0, v2;
	v2 =	vld [tilespmem:s24+$0x40A0]  }
0x11e: {  	v1 =	vmin.u32 v1, $0x22;
	_ =	sdelay $0x3  }
0x11f: {  	[tilespmem:s24+$0xC080] =	vst v0;
	vm0 =	vgt.s32 v2, $0x0  }
0x120: {  	v0 =	vld.idx.msk [tilespmem:v1+s2+$0x0], $0xffff;
	v1 =	vnsel vm0, $0x0, v2  }
0x121: {  	v2 =	vld [tilespmem:s24+$0x40B0];
	v1 =	vmin.u32 v1, $0x22;
	_ =	sdelay $0x3  }
0x122: {  	[tilespmem:s24+$0xC090] =	vst v0  }
0x123: {  	vm0 =	vgt.s32 v2, $0x0;
	v0 =	vld.idx.msk [tilespmem:v1+s2+$0x0], $0xffff  }
0x124: {  	v1 =	vnsel vm0, $0x0, v2;
	v2 =	vld [tilespmem:s24+$0x40C0]  }
0x125: {  	v1 =	vmin.u32 v1, $0x22;
	_ =	sdelay $0x3  }
0x126: {  	[tilespmem:s24+$0xC0A0] =	vst v0;
	vm0 =	vgt.s32 v2, $0x0  }
0x127: {  	v0 =	vld.idx.msk [tilespmem:v1+s2+$0x0], $0xffff;
	v1 =	vnsel vm0, $0x0, v2  }
0x128: {  	v2 =	vld [tilespmem:s24+$0x40D0];
	v1 =	vmin.u32 v1, $0x22;
	_ =	sdelay $0x3  }
0x129: {  	[tilespmem:s24+$0xC0B0] =	vst v0  }
0x12a: {  	vm0 =	vgt.s32 v2, $0x0;
	v0 =	vld.idx.msk [tilespmem:v1+s2+$0x0], $0xffff  }
0x12b: {  	v1 =	vnsel vm0, $0x0, v2;
	v2 =	vld [tilespmem:s24+$0x40E0]  }
0x12c: {  	v1 =	vmin.u32 v1, $0x22;
	_ =	sdelay $0x3  }
0x12d: {  	[tilespmem:s24+$0xC0C0] =	vst v0;
	vm0 =	vgt.s32 v2, $0x0  }
0x12e: {  	v0 =	vld.idx.msk [tilespmem:v1+s2+$0x0], $0xffff;
	v1 =	vnsel vm0, $0x0, v2  }
0x12f: {  	v2 =	vld [tilespmem:s24+$0x40F0];
	v1 =	vmin.u32 v1, $0x22;
	_ =	sdelay $0x3  }
0x130: {  	[tilespmem:s24+$0xC0D0] =	vst v0  }
0x131: {  	vm0 =	vgt.s32 v2, $0x0;
	v0 =	vld.idx.msk [tilespmem:v1+s2+$0x0], $0xffff  }
0x132: {  	v1 =	vnsel vm0, $0x0, v2;
	v2 =	vld [tilespmem:s24+$0x4480]  }
0x133: {  	v1 =	vmin.u32 v1, $0x22;
	_ =	sdelay $0x3  }
0x134: {  	[tilespmem:s24+$0xC0E0] =	vst v0;
	vm0 =	vgt.s32 v2, $0x0  }
0x135: {  	v0 =	vld.idx.msk [tilespmem:v1+s2+$0x0], $0xffff;
	v1 =	vnsel vm0, $0x0, v2  }
0x136: {  	v2 =	vld [tilespmem:s24+$0x4490];
	v1 =	vmin.u32 v1, $0x22;
	_ =	sdelay $0x3  }
0x137: {  	[tilespmem:s24+$0xC0F0] =	vst v0  }
0x138: {  	vm0 =	vgt.s32 v2, $0x0;
	v0 =	vld.idx.msk [tilespmem:v1+s2+$0x0], $0xffff  }
0x139: {  	v1 =	vnsel vm0, $0x0, v2;
	v2 =	vld [tilespmem:s24+$0x44A0]  }
0x13a: {  	v1 =	vmin.u32 v1, $0x22;
	_ =	sdelay $0x3  }
0x13b: {  	[tilespmem:s24+$0xC480] =	vst v0;
	vm0 =	vgt.s32 v2, $0x0  }
0x13c: {  	v0 =	vld.idx.msk [tilespmem:v1+s2+$0x0], $0xffff;
	v1 =	vnsel vm0, $0x0, v2  }
0x13d: {  	v2 =	vld [tilespmem:s24+$0x44B0];
	v1 =	vmin.u32 v1, $0x22;
	_ =	sdelay $0x3  }
0x13e: {  	[tilespmem:s24+$0xC490] =	vst v0  }
0x13f: {  	vm0 =	vgt.s32 v2, $0x0;
	v0 =	vld.idx.msk [tilespmem:v1+s2+$0x0], $0xffff  }
0x140: {  	v1 =	vnsel vm0, $0x0, v2;
	v2 =	vld [tilespmem:s24+$0x44B8]  }
0x141: {  	v1 =	vmin.u32 v1, $0x22;
	_ =	sdelay $0x3  }
0x142: {  	[tilespmem:s24+$0xC4A0] =	vst v0;
	vm0 =	vgt.s32 v2, $0x0  }
0x143: {  	v0 =	vld.idx.msk [tilespmem:v1+s2+$0x0], $0xffff;
	v1 =	vnsel vm0, $0x0, v2  }
0x144: {  	v1 =	vmin.u32 v1, $0x22;
	_ =	sdelay $0x3  }
0x145: {  	[tilespmem:s24+$0xC4B0] =	vst v0  }
0x146: {  	v0 =	vld.idx.msk [tilespmem:v1+s2+$0x0], $0xffff;
	_ =	sdelay $0x4  }
0x147: {  	s30 =	simm.s32 $0x0;
	[tilespmem:s24+$0xC4B8] =	vst v0  }
0x148: {  	[hbm4b:s8+s30] =	stream.linear.scatter [tilespmem:s19], [sflag:$0x4], $0x4000, $0x38;
	[tilespmem:$0x10080] =	vst v63  }
0x149: {  	_ =	swait.ge [sflag:s15], $0x4000  }
0x14a: {  	[sflag:s15] =	ssyncset.done $0x0  }
0x14b: {  	[sflag:s15] =	ssyncadd.s32 $0xFFFFC000  }
0x14c: {  	[tilespmem:s16], [sflag:$0x2] =	stream.linear.gather [hbm4b:s9+s30], $0x4000, $0x38;
	[tilespmem:$0x10080] =	vst v63  }
0x14d: {  	_ =	swait.ge [sflag:s20], $0x4000  }
0x14e: {  	s31 =	sand.u32 $0x3800, s30;
	s23 =	sand.u32 $0x380, s30;
	[sflag:s20] =	ssyncset.done $0x0  }
0x14f: {  	s23 =	sor.u32 s23, s31;
	[sflag:s20] =	ssyncadd.s32 $0xFFFFC000  }
0x150: {  	v0 =	vld [tilespmem:s23+$0x80];
	_ =	sdelay $0x4  }
0x151: {  	vm0 =	vgt.s32 v0, $0x0  }
0x152: {  	v1 =	vld [tilespmem:s23+$0x90];
	v0 =	vnsel vm0, $0x0, v0  }
0x153: {  	v0 =	vmin.u32 v0, $0x22;
	_ =	sdelay $0x3  }
0x154: {  	vm0 =	vgt.s32 v1, $0x0  }
0x155: {  	v1 =	vnsel vm0, $0x0, v1;
	v0 =	vld.idx.msk [tilespmem:v0+s2+$0x0], $0xffff  }
0x156: {  	v2 =	vld [tilespmem:s23+$0xA0];
	v1 =	vmin.u32 v1, $0x22;
	_ =	sdelay $0x3  }
0x157: {  	[tilespmem:s23+$0x8080] =	vst v0  }
0x158: {  	vm0 =	vgt.s32 v2, $0x0;
	v0 =	vld.idx.msk [tilespmem:v1+s2+$0x0], $0xffff  }
0x159: {  	v1 =	vnsel vm0, $0x0, v2;
	v2 =	vld [tilespmem:s23+$0xB0]  }
0x15a: {  	v1 =	vmin.u32 v1, $0x22;
	_ =	sdelay $0x3  }
0x15b: {  	[tilespmem:s23+$0x8090] =	vst v0;
	vm0 =	vgt.s32 v2, $0x0  }
0x15c: {  	v0 =	vld.idx.msk [tilespmem:v1+s2+$0x0], $0xffff;
	v1 =	vnsel vm0, $0x0, v2  }
0x15d: {  	v2 =	vld [tilespmem:s23+$0xC0];
	v1 =	vmin.u32 v1, $0x22;
	_ =	sdelay $0x3  }
0x15e: {  	[tilespmem:s23+$0x80A0] =	vst v0  }
0x15f: {  	vm0 =	vgt.s32 v2, $0x0;
	v0 =	vld.idx.msk [tilespmem:v1+s2+$0x0], $0xffff  }
0x160: {  	v1 =	vnsel vm0, $0x0, v2;
	v2 =	vld [tilespmem:s23+$0xD0]  }
0x161: {  	v1 =	vmin.u32 v1, $0x22;
	_ =	sdelay $0x3  }
0x162: {  	[tilespmem:s23+$0x80B0] =	vst v0;
	vm0 =	vgt.s32 v2, $0x0  }
0x163: {  	v0 =	vld.idx.msk [tilespmem:v1+s2+$0x0], $0xffff;
	v1 =	vnsel vm0, $0x0, v2  }
0x164: {  	v2 =	vld [tilespmem:s23+$0xE0];
	v1 =	vmin.u32 v1, $0x22;
	_ =	sdelay $0x3  }
0x165: {  	[tilespmem:s23+$0x80C0] =	vst v0  }
0x166: {  	vm0 =	vgt.s32 v2, $0x0;
	v0 =	vld.idx.msk [tilespmem:v1+s2+$0x0], $0xffff  }
0x167: {  	v1 =	vnsel vm0, $0x0, v2;
	v2 =	vld [tilespmem:s23+$0xF0]  }
0x168: {  	v1 =	vmin.u32 v1, $0x22;
	_ =	sdelay $0x3  }
0x169: {  	[tilespmem:s23+$0x80D0] =	vst v0;
	vm0 =	vgt.s32 v2, $0x0  }
0x16a: {  	v0 =	vld.idx.msk [tilespmem:v1+s2+$0x0], $0xffff;
	v1 =	vnsel vm0, $0x0, v2  }
0x16b: {  	v2 =	vld [tilespmem:s23+$0x480];
	v1 =	vmin.u32 v1, $0x22;
	_ =	sdelay $0x3  }
0x16c: {  	[tilespmem:s23+$0x80E0] =	vst v0  }
0x16d: {  	vm0 =	vgt.s32 v2, $0x0;
	v0 =	vld.idx.msk [tilespmem:v1+s2+$0x0], $0xffff  }
0x16e: {  	v1 =	vnsel vm0, $0x0, v2;
	v2 =	vld [tilespmem:s23+$0x490]  }
0x16f: {  	v1 =	vmin.u32 v1, $0x22;
	_ =	sdelay $0x3  }
0x170: {  	[tilespmem:s23+$0x80F0] =	vst v0;
	vm0 =	vgt.s32 v2, $0x0  }
0x171: {  	v0 =	vld.idx.msk [tilespmem:v1+s2+$0x0], $0xffff;
	v1 =	vnsel vm0, $0x0, v2  }
0x172: {  	v2 =	vld [tilespmem:s23+$0x4A0];
	v1 =	vmin.u32 v1, $0x22;
	_ =	sdelay $0x3  }
0x173: {  	[tilespmem:s23+$0x8480] =	vst v0  }
0x174: {  	vm0 =	vgt.s32 v2, $0x0;
	v0 =	vld.idx.msk [tilespmem:v1+s2+$0x0], $0xffff  }
0x175: {  	v1 =	vnsel vm0, $0x0, v2;
	v2 =	vld [tilespmem:s23+$0x4B0]  }
0x176: {  	v1 =	vmin.u32 v1, $0x22;
	_ =	sdelay $0x3  }
0x177: {  	[tilespmem:s23+$0x8490] =	vst v0;
	vm0 =	vgt.s32 v2, $0x0  }
0x178: {  	v1 =	vld.idx.msk [tilespmem:v1+s2+$0x0], $0xffff;
	v0 =	vnsel vm0, $0x0, v2  }
0x179: {  	v2 =	vmin.u32 v0, $0x22;
	v0 =	vld [tilespmem:s23+$0x4B8];
	_ =	sdelay $0x3  }
0x17a: {  	s25 =	simm.s32 $0x100;
	s24 =	simm.s32 $0x80;
	[tilespmem:s23+$0x84A0] =	vst v1  }
0x17b: {  	s26 =	sand.u32 $0x3800, s25;
	s25 =	simm.s32 $0x200;
	s28 =	sand.u32 $0x380, s24;
	v1 =	vld.idx.msk [tilespmem:v2+s2+$0x0], $0xffff;
	vm0 =	vgt.s32 v0, $0x0  }
.LBB2_6:
0x17c: {  	p0 =	sne.s32 s25, $0x3F00;
	s26 =	sor.u32 s28, s26;
	v0 =	vnsel vm0, $0x0, v0  }
0x17d: {  	v2 =	vld [tilespmem:s26+$0x80];
	v0 =	vmin.u32 v0, $0x22;
	_ =	sdelay $0x3  }
0x17e: {  	[tilespmem:s23+$0x84B0] =	vst v1  }
0x17f: {  	vm0 =	vgt.s32 v2, $0x0;
	v0 =	vld.idx.msk [tilespmem:v0+s2+$0x0], $0xffff  }
0x180: {  	v1 =	vnsel vm0, $0x0, v2  }
0x181: {  	v1 =	vmin.u32 v1, $0x22;
	v2 =	vld [tilespmem:s26+$0x90];
	_ =	sdelay $0x3  }
0x182: {  	[tilespmem:s23+$0x84B8] =	vst v0;
	s23 =	smov.u32 s26  }
0x183: {  	v0 =	vld.idx.msk [tilespmem:v1+s2+$0x0], $0xffff;
	vm0 =	vgt.s32 v2, $0x0  }
0x184: {  	v1 =	vnsel vm0, $0x0, v2  }
0x185: {  	v1 =	vmin.u32 v1, $0x22;
	v2 =	vld [tilespmem:s23+$0xA0];
	_ =	sdelay $0x3  }
0x186: {  	[tilespmem:s23+$0x8080] =	vst v0  }
0x187: {  	v0 =	vld.idx.msk [tilespmem:v1+s2+$0x0], $0xffff;
	vm0 =	vgt.s32 v2, $0x0  }
0x188: {  	v1 =	vnsel vm0, $0x0, v2  }
0x189: {  	v1 =	vmin.u32 v1, $0x22;
	v2 =	vld [tilespmem:s23+$0xB0];
	_ =	sdelay $0x3  }
0x18a: {  	[tilespmem:s23+$0x8090] =	vst v0  }
0x18b: {  	v0 =	vld.idx.msk [tilespmem:v1+s2+$0x0], $0xffff;
	vm0 =	vgt.s32 v2, $0x0  }
0x18c: {  	v1 =	vnsel vm0, $0x0, v2  }
0x18d: {  	v1 =	vmin.u32 v1, $0x22;
	v2 =	vld [tilespmem:s23+$0xC0];
	_ =	sdelay $0x3  }
0x18e: {  	[tilespmem:s23+$0x80A0] =	vst v0  }
0x18f: {  	v0 =	vld.idx.msk [tilespmem:v1+s2+$0x0], $0xffff;
	vm0 =	vgt.s32 v2, $0x0  }
0x190: {  	v1 =	vnsel vm0, $0x0, v2  }
0x191: {  	v1 =	vmin.u32 v1, $0x22;
	v2 =	vld [tilespmem:s23+$0xD0];
	_ =	sdelay $0x3  }
0x192: {  	[tilespmem:s23+$0x80B0] =	vst v0  }
0x193: {  	v0 =	vld.idx.msk [tilespmem:v1+s2+$0x0], $0xffff;
	vm0 =	vgt.s32 v2, $0x0  }
0x194: {  	v1 =	vnsel vm0, $0x0, v2  }
0x195: {  	v1 =	vmin.u32 v1, $0x22;
	v2 =	vld [tilespmem:s23+$0xE0];
	_ =	sdelay $0x3  }
0x196: {  	[tilespmem:s23+$0x80C0] =	vst v0  }
0x197: {  	v0 =	vld.idx.msk [tilespmem:v1+s2+$0x0], $0xffff;
	vm0 =	vgt.s32 v2, $0x0  }
0x198: {  	v1 =	vnsel vm0, $0x0, v2  }
0x199: {  	v1 =	vmin.u32 v1, $0x22;
	v2 =	vld [tilespmem:s23+$0xF0];
	_ =	sdelay $0x3  }
0x19a: {  	[tilespmem:s23+$0x80D0] =	vst v0  }
0x19b: {  	v0 =	vld.idx.msk [tilespmem:v1+s2+$0x0], $0xffff;
	vm0 =	vgt.s32 v2, $0x0  }
0x19c: {  	v1 =	vnsel vm0, $0x0, v2  }
0x19d: {  	v1 =	vmin.u32 v1, $0x22;
	v2 =	vld [tilespmem:s23+$0x480];
	_ =	sdelay $0x3  }
0x19e: {  	[tilespmem:s23+$0x80E0] =	vst v0  }
0x19f: {  	v0 =	vld.idx.msk [tilespmem:v1+s2+$0x0], $0xffff;
	vm0 =	vgt.s32 v2, $0x0  }
0x1a0: {  	v1 =	vnsel vm0, $0x0, v2  }
0x1a1: {  	v1 =	vmin.u32 v1, $0x22;
	v2 =	vld [tilespmem:s23+$0x490];
	_ =	sdelay $0x3  }
0x1a2: {  	[tilespmem:s23+$0x80F0] =	vst v0  }
0x1a3: {  	v0 =	vld.idx.msk [tilespmem:v1+s2+$0x0], $0xffff;
	vm0 =	vgt.s32 v2, $0x0  }
0x1a4: {  	v1 =	vnsel vm0, $0x0, v2  }
0x1a5: {  	v1 =	vmin.u32 v1, $0x22;
	v2 =	vld [tilespmem:s23+$0x4A0];
	_ =	sdelay $0x3  }
0x1a6: {  	[tilespmem:s23+$0x8480] =	vst v0  }
0x1a7: {  	v0 =	vld.idx.msk [tilespmem:v1+s2+$0x0], $0xffff;
	vm0 =	vgt.s32 v2, $0x0  }
0x1a8: {  	v1 =	vnsel vm0, $0x0, v2  }
0x1a9: {  	v1 =	vmin.u32 v1, $0x22;
	v2 =	vld [tilespmem:s23+$0x4B0];
	_ =	sdelay $0x3  }
0x1aa: {  	[tilespmem:s23+$0x8490] =	vst v0  }
0x1ab: {  	v1 =	vld.idx.msk [tilespmem:v1+s2+$0x0], $0xffff;
	vm0 =	vgt.s32 v2, $0x0  }
0x1ac: {  	v0 =	vnsel vm0, $0x0, v2  }
0x1ad: {  	v2 =	vmin.u32 v0, $0x22;
	v0 =	vld [tilespmem:s23+$0x4B8]  }
.Ltmp2:
0x1ae: {  	(pc) =	sbr.rel @p0 .LBB2_6-.Ltmp2, $3  }
0x1af: {  	_ =	sdelay $0x1  }
0x1b0: {  	s24 =	sadd.s32 $0x80, s24;
	[tilespmem:s23+$0x84A0] =	vst v1  }
0x1b1: {  	s28 =	sand.u32 $0x380, s24;
	s26 =	sand.u32 $0x3800, s25;
	s25 =	sadd.s32 $0x100, s25;
	v1 =	vld.idx.msk [tilespmem:v2+s2+$0x0], $0xffff;
	vm0 =	vgt.s32 v0, $0x0  }
0x1b2: {  	s24 =	sor.u32 s28, s26  }
0x1b3: {  	v0 =	vnsel vm0, $0x0, v0;
	v2 =	vld [tilespmem:s24+$0x80]  }
0x1b4: {  	v0 =	vmin.u32 v0, $0x22;
	_ =	sdelay $0x3  }
0x1b5: {  	[tilespmem:s23+$0x84B0] =	vst v1;
	vm0 =	vgt.s32 v2, $0x0  }
0x1b6: {  	v0 =	vld.idx.msk [tilespmem:v0+s2+$0x0], $0xffff;
	v1 =	vnsel vm0, $0x0, v2  }
0x1b7: {  	v2 =	vld [tilespmem:s24+$0x90];
	v1 =	vmin.u32 v1, $0x22;
	_ =	sdelay $0x3  }
0x1b8: {  	[tilespmem:s23+$0x84B8] =	vst v0  }
0x1b9: {  	vm0 =	vgt.s32 v2, $0x0;
	v0 =	vld.idx.msk [tilespmem:v1+s2+$0x0], $0xffff  }
0x1ba: {  	v1 =	vnsel vm0, $0x0, v2;
	v2 =	vld [tilespmem:s24+$0xA0]  }
0x1bb: {  	v1 =	vmin.u32 v1, $0x22;
	_ =	sdelay $0x3  }
0x1bc: {  	[tilespmem:s24+$0x8080] =	vst v0;
	vm0 =	vgt.s32 v2, $0x0  }
0x1bd: {  	v0 =	vld.idx.msk [tilespmem:v1+s2+$0x0], $0xffff;
	v1 =	vnsel vm0, $0x0, v2  }
0x1be: {  	v2 =	vld [tilespmem:s24+$0xB0];
	v1 =	vmin.u32 v1, $0x22;
	_ =	sdelay $0x3  }
0x1bf: {  	[tilespmem:s24+$0x8090] =	vst v0  }
0x1c0: {  	vm0 =	vgt.s32 v2, $0x0;
	v0 =	vld.idx.msk [tilespmem:v1+s2+$0x0], $0xffff  }
0x1c1: {  	v1 =	vnsel vm0, $0x0, v2;
	v2 =	vld [tilespmem:s24+$0xC0]  }
0x1c2: {  	v1 =	vmin.u32 v1, $0x22;
	_ =	sdelay $0x3  }
0x1c3: {  	[tilespmem:s24+$0x80A0] =	vst v0;
	vm0 =	vgt.s32 v2, $0x0  }
0x1c4: {  	v0 =	vld.idx.msk [tilespmem:v1+s2+$0x0], $0xffff;
	v1 =	vnsel vm0, $0x0, v2  }
0x1c5: {  	v2 =	vld [tilespmem:s24+$0xD0];
	v1 =	vmin.u32 v1, $0x22;
	_ =	sdelay $0x3  }
0x1c6: {  	[tilespmem:s24+$0x80B0] =	vst v0  }
0x1c7: {  	vm0 =	vgt.s32 v2, $0x0;
	v0 =	vld.idx.msk [tilespmem:v1+s2+$0x0], $0xffff  }
0x1c8: {  	v1 =	vnsel vm0, $0x0, v2;
	v2 =	vld [tilespmem:s24+$0xE0]  }
0x1c9: {  	v1 =	vmin.u32 v1, $0x22;
	_ =	sdelay $0x3  }
0x1ca: {  	[tilespmem:s24+$0x80C0] =	vst v0;
	vm0 =	vgt.s32 v2, $0x0  }
0x1cb: {  	v0 =	vld.idx.msk [tilespmem:v1+s2+$0x0], $0xffff;
	v1 =	vnsel vm0, $0x0, v2  }
0x1cc: {  	v2 =	vld [tilespmem:s24+$0xF0];
	v1 =	vmin.u32 v1, $0x22;
	_ =	sdelay $0x3  }
0x1cd: {  	[tilespmem:s24+$0x80D0] =	vst v0  }
0x1ce: {  	vm0 =	vgt.s32 v2, $0x0;
	v0 =	vld.idx.msk [tilespmem:v1+s2+$0x0], $0xffff  }
0x1cf: {  	v1 =	vnsel vm0, $0x0, v2;
	v2 =	vld [tilespmem:s24+$0x480]  }
0x1d0: {  	v1 =	vmin.u32 v1, $0x22;
	_ =	sdelay $0x3  }
0x1d1: {  	[tilespmem:s24+$0x80E0] =	vst v0;
	vm0 =	vgt.s32 v2, $0x0  }
0x1d2: {  	v0 =	vld.idx.msk [tilespmem:v1+s2+$0x0], $0xffff;
	v1 =	vnsel vm0, $0x0, v2  }
0x1d3: {  	v2 =	vld [tilespmem:s24+$0x490];
	v1 =	vmin.u32 v1, $0x22;
	_ =	sdelay $0x3  }
0x1d4: {  	[tilespmem:s24+$0x80F0] =	vst v0  }
0x1d5: {  	vm0 =	vgt.s32 v2, $0x0;
	v0 =	vld.idx.msk [tilespmem:v1+s2+$0x0], $0xffff  }
0x1d6: {  	v1 =	vnsel vm0, $0x0, v2;
	v2 =	vld [tilespmem:s24+$0x4A0]  }
0x1d7: {  	v1 =	vmin.u32 v1, $0x22;
	_ =	sdelay $0x3  }
0x1d8: {  	[tilespmem:s24+$0x8480] =	vst v0;
	vm0 =	vgt.s32 v2, $0x0  }
0x1d9: {  	v0 =	vld.idx.msk [tilespmem:v1+s2+$0x0], $0xffff;
	v1 =	vnsel vm0, $0x0, v2  }
0x1da: {  	v2 =	vld [tilespmem:s24+$0x4B0];
	v1 =	vmin.u32 v1, $0x22;
	_ =	sdelay $0x3  }
0x1db: {  	[tilespmem:s24+$0x8490] =	vst v0  }
0x1dc: {  	vm0 =	vgt.s32 v2, $0x0;
	v0 =	vld.idx.msk [tilespmem:v1+s2+$0x0], $0xffff  }
0x1dd: {  	v1 =	vnsel vm0, $0x0, v2;
	v2 =	vld [tilespmem:s24+$0x4B8]  }
0x1de: {  	v1 =	vmin.u32 v1, $0x22;
	_ =	sdelay $0x3  }
0x1df: {  	[tilespmem:s24+$0x84A0] =	vst v0;
	vm0 =	vgt.s32 v2, $0x0  }
0x1e0: {  	v0 =	vld.idx.msk [tilespmem:v1+s2+$0x0], $0xffff;
	v1 =	vnsel vm0, $0x0, v2  }
0x1e1: {  	v1 =	vmin.u32 v1, $0x22;
	_ =	sdelay $0x3  }
0x1e2: {  	[tilespmem:s24+$0x84B0] =	vst v0  }
0x1e3: {  	v0 =	vld.idx.msk [tilespmem:v1+s2+$0x0], $0xffff;
	_ =	sdelay $0x4  }
0x1e4: {  	s30 =	simm.s32 $0x0;
	[tilespmem:s24+$0x84B8] =	vst v0  }
0x1e5: {  	[hbm4b:s10+s30] =	stream.linear.scatter [tilespmem:s17], [sflag:$0x3], $0x4000, $0x38;
	[tilespmem:$0x10080] =	vst v63  }
0x1e6: {  	_ =	swait.ge [sflag:s18], $0x4000  }
0x1e7: {  	[sflag:s18] =	ssyncset.done $0x0  }
0x1e8: {  	[sflag:s18] =	ssyncadd.s32 $0xFFFFC000  }
0x1e9: {  	_ =	swait.ge [sflag:s21], $0x4000  }
0x1ea: {  	s31 =	sand.u32 $0x3800, s30;
	s23 =	sand.u32 $0x380, s30;
	[sflag:s21] =	ssyncset.done $0x0  }
0x1eb: {  	s23 =	sor.u32 s23, s31;
	[sflag:s21] =	ssyncadd.s32 $0xFFFFC000  }
0x1ec: {  	v0 =	vld [tilespmem:s23+$0x4080];
	_ =	sdelay $0x4  }
0x1ed: {  	vm0 =	vgt.s32 v0, $0x0  }
0x1ee: {  	v1 =	vld [tilespmem:s23+$0x4090];
	v0 =	vnsel vm0, $0x0, v0  }
0x1ef: {  	v0 =	vmin.u32 v0, $0x22;
	_ =	sdelay $0x3  }
0x1f0: {  	vm0 =	vgt.s32 v1, $0x0  }
0x1f1: {  	v1 =	vnsel vm0, $0x0, v1;
	v0 =	vld.idx.msk [tilespmem:v0+s2+$0x0], $0xffff  }
0x1f2: {  	v2 =	vld [tilespmem:s23+$0x40A0];
	v1 =	vmin.u32 v1, $0x22;
	_ =	sdelay $0x3  }
0x1f3: {  	[tilespmem:s23+$0xC080] =	vst v0  }
0x1f4: {  	vm0 =	vgt.s32 v2, $0x0;
	v0 =	vld.idx.msk [tilespmem:v1+s2+$0x0], $0xffff  }
0x1f5: {  	v1 =	vnsel vm0, $0x0, v2;
	v2 =	vld [tilespmem:s23+$0x40B0]  }
0x1f6: {  	v1 =	vmin.u32 v1, $0x22;
	_ =	sdelay $0x3  }
0x1f7: {  	[tilespmem:s23+$0xC090] =	vst v0;
	vm0 =	vgt.s32 v2, $0x0  }
0x1f8: {  	v0 =	vld.idx.msk [tilespmem:v1+s2+$0x0], $0xffff;
	v1 =	vnsel vm0, $0x0, v2  }
0x1f9: {  	v2 =	vld [tilespmem:s23+$0x40C0];
	v1 =	vmin.u32 v1, $0x22;
	_ =	sdelay $0x3  }
0x1fa: {  	[tilespmem:s23+$0xC0A0] =	vst v0  }
0x1fb: {  	vm0 =	vgt.s32 v2, $0x0;
	v0 =	vld.idx.msk [tilespmem:v1+s2+$0x0], $0xffff  }
0x1fc: {  	v1 =	vnsel vm0, $0x0, v2;
	v2 =	vld [tilespmem:s23+$0x40D0]  }
0x1fd: {  	v1 =	vmin.u32 v1, $0x22;
	_ =	sdelay $0x3  }
0x1fe: {  	[tilespmem:s23+$0xC0B0] =	vst v0;
	vm0 =	vgt.s32 v2, $0x0  }
0x1ff: {  	v0 =	vld.idx.msk [tilespmem:v1+s2+$0x0], $0xffff;
	v1 =	vnsel vm0, $0x0, v2  }
0x200: {  	v2 =	vld [tilespmem:s23+$0x40E0];
	v1 =	vmin.u32 v1, $0x22;
	_ =	sdelay $0x3  }
0x201: {  	[tilespmem:s23+$0xC0C0] =	vst v0  }
0x202: {  	vm0 =	vgt.s32 v2, $0x0;
	v0 =	vld.idx.msk [tilespmem:v1+s2+$0x0], $0xffff  }
0x203: {  	v1 =	vnsel vm0, $0x0, v2;
	v2 =	vld [tilespmem:s23+$0x40F0]  }
0x204: {  	v1 =	vmin.u32 v1, $0x22;
	_ =	sdelay $0x3  }
0x205: {  	[tilespmem:s23+$0xC0D0] =	vst v0;
	vm0 =	vgt.s32 v2, $0x0  }
0x206: {  	v0 =	vld.idx.msk [tilespmem:v1+s2+$0x0], $0xffff;
	v1 =	vnsel vm0, $0x0, v2  }
0x207: {  	v2 =	vld [tilespmem:s23+$0x4480];
	v1 =	vmin.u32 v1, $0x22;
	_ =	sdelay $0x3  }
0x208: {  	[tilespmem:s23+$0xC0E0] =	vst v0  }
0x209: {  	vm0 =	vgt.s32 v2, $0x0;
	v0 =	vld.idx.msk [tilespmem:v1+s2+$0x0], $0xffff  }
0x20a: {  	v1 =	vnsel vm0, $0x0, v2;
	v2 =	vld [tilespmem:s23+$0x4490]  }
0x20b: {  	v1 =	vmin.u32 v1, $0x22;
	_ =	sdelay $0x3  }
0x20c: {  	[tilespmem:s23+$0xC0F0] =	vst v0;
	vm0 =	vgt.s32 v2, $0x0  }
0x20d: {  	v0 =	vld.idx.msk [tilespmem:v1+s2+$0x0], $0xffff;
	v1 =	vnsel vm0, $0x0, v2  }
0x20e: {  	v2 =	vld [tilespmem:s23+$0x44A0];
	v1 =	vmin.u32 v1, $0x22;
	_ =	sdelay $0x3  }
0x20f: {  	[tilespmem:s23+$0xC480] =	vst v0  }
0x210: {  	vm0 =	vgt.s32 v2, $0x0;
	v0 =	vld.idx.msk [tilespmem:v1+s2+$0x0], $0xffff  }
0x211: {  	v1 =	vnsel vm0, $0x0, v2;
	v2 =	vld [tilespmem:s23+$0x44B0]  }
0x212: {  	v1 =	vmin.u32 v1, $0x22;
	_ =	sdelay $0x3  }
0x213: {  	[tilespmem:s23+$0xC490] =	vst v0;
	vm0 =	vgt.s32 v2, $0x0  }
0x214: {  	v1 =	vld.idx.msk [tilespmem:v1+s2+$0x0], $0xffff;
	v0 =	vnsel vm0, $0x0, v2  }
0x215: {  	v2 =	vmin.u32 v0, $0x22;
	v0 =	vld [tilespmem:s23+$0x44B8];
	_ =	sdelay $0x3  }
0x216: {  	s25 =	simm.s32 $0x100;
	s24 =	simm.s32 $0x80;
	[tilespmem:s23+$0xC4A0] =	vst v1  }
0x217: {  	s26 =	sand.u32 $0x3800, s25;
	s25 =	simm.s32 $0x200;
	s28 =	sand.u32 $0x380, s24;
	v1 =	vld.idx.msk [tilespmem:v2+s2+$0x0], $0xffff;
	vm0 =	vgt.s32 v0, $0x0  }
.LBB2_8:
0x218: {  	p0 =	sne.s32 s25, $0x3F00;
	s26 =	sor.u32 s28, s26;
	v0 =	vnsel vm0, $0x0, v0  }
0x219: {  	v2 =	vld [tilespmem:s26+$0x4080];
	v0 =	vmin.u32 v0, $0x22;
	_ =	sdelay $0x3  }
0x21a: {  	[tilespmem:s23+$0xC4B0] =	vst v1  }
0x21b: {  	vm0 =	vgt.s32 v2, $0x0;
	v0 =	vld.idx.msk [tilespmem:v0+s2+$0x0], $0xffff  }
0x21c: {  	v1 =	vnsel vm0, $0x0, v2  }
0x21d: {  	v1 =	vmin.u32 v1, $0x22;
	v2 =	vld [tilespmem:s26+$0x4090];
	_ =	sdelay $0x3  }
0x21e: {  	[tilespmem:s23+$0xC4B8] =	vst v0;
	s23 =	smov.u32 s26  }
0x21f: {  	v0 =	vld.idx.msk [tilespmem:v1+s2+$0x0], $0xffff;
	vm0 =	vgt.s32 v2, $0x0  }
0x220: {  	v1 =	vnsel vm0, $0x0, v2  }
0x221: {  	v1 =	vmin.u32 v1, $0x22;
	v2 =	vld [tilespmem:s23+$0x40A0];
	_ =	sdelay $0x3  }
0x222: {  	[tilespmem:s23+$0xC080] =	vst v0  }
0x223: {  	v0 =	vld.idx.msk [tilespmem:v1+s2+$0x0], $0xffff;
	vm0 =	vgt.s32 v2, $0x0  }
0x224: {  	v1 =	vnsel vm0, $0x0, v2  }
0x225: {  	v1 =	vmin.u32 v1, $0x22;
	v2 =	vld [tilespmem:s23+$0x40B0];
	_ =	sdelay $0x3  }
0x226: {  	[tilespmem:s23+$0xC090] =	vst v0  }
0x227: {  	v0 =	vld.idx.msk [tilespmem:v1+s2+$0x0], $0xffff;
	vm0 =	vgt.s32 v2, $0x0  }
0x228: {  	v1 =	vnsel vm0, $0x0, v2  }
0x229: {  	v1 =	vmin.u32 v1, $0x22;
	v2 =	vld [tilespmem:s23+$0x40C0];
	_ =	sdelay $0x3  }
0x22a: {  	[tilespmem:s23+$0xC0A0] =	vst v0  }
0x22b: {  	v0 =	vld.idx.msk [tilespmem:v1+s2+$0x0], $0xffff;
	vm0 =	vgt.s32 v2, $0x0  }
0x22c: {  	v1 =	vnsel vm0, $0x0, v2  }
0x22d: {  	v1 =	vmin.u32 v1, $0x22;
	v2 =	vld [tilespmem:s23+$0x40D0];
	_ =	sdelay $0x3  }
0x22e: {  	[tilespmem:s23+$0xC0B0] =	vst v0  }
0x22f: {  	v0 =	vld.idx.msk [tilespmem:v1+s2+$0x0], $0xffff;
	vm0 =	vgt.s32 v2, $0x0  }
0x230: {  	v1 =	vnsel vm0, $0x0, v2  }
0x231: {  	v1 =	vmin.u32 v1, $0x22;
	v2 =	vld [tilespmem:s23+$0x40E0];
	_ =	sdelay $0x3  }
0x232: {  	[tilespmem:s23+$0xC0C0] =	vst v0  }
0x233: {  	v0 =	vld.idx.msk [tilespmem:v1+s2+$0x0], $0xffff;
	vm0 =	vgt.s32 v2, $0x0  }
0x234: {  	v1 =	vnsel vm0, $0x0, v2  }
0x235: {  	v1 =	vmin.u32 v1, $0x22;
	v2 =	vld [tilespmem:s23+$0x40F0];
	_ =	sdelay $0x3  }
0x236: {  	[tilespmem:s23+$0xC0D0] =	vst v0  }
0x237: {  	v0 =	vld.idx.msk [tilespmem:v1+s2+$0x0], $0xffff;
	vm0 =	vgt.s32 v2, $0x0  }
0x238: {  	v1 =	vnsel vm0, $0x0, v2  }
0x239: {  	v1 =	vmin.u32 v1, $0x22;
	v2 =	vld [tilespmem:s23+$0x4480];
	_ =	sdelay $0x3  }
0x23a: {  	[tilespmem:s23+$0xC0E0] =	vst v0  }
0x23b: {  	v0 =	vld.idx.msk [tilespmem:v1+s2+$0x0], $0xffff;
	vm0 =	vgt.s32 v2, $0x0  }
0x23c: {  	v1 =	vnsel vm0, $0x0, v2  }
0x23d: {  	v1 =	vmin.u32 v1, $0x22;
	v2 =	vld [tilespmem:s23+$0x4490];
	_ =	sdelay $0x3  }
0x23e: {  	[tilespmem:s23+$0xC0F0] =	vst v0  }
0x23f: {  	v0 =	vld.idx.msk [tilespmem:v1+s2+$0x0], $0xffff;
	vm0 =	vgt.s32 v2, $0x0  }
0x240: {  	v1 =	vnsel vm0, $0x0, v2  }
0x241: {  	v1 =	vmin.u32 v1, $0x22;
	v2 =	vld [tilespmem:s23+$0x44A0];
	_ =	sdelay $0x3  }
0x242: {  	[tilespmem:s23+$0xC480] =	vst v0  }
0x243: {  	v0 =	vld.idx.msk [tilespmem:v1+s2+$0x0], $0xffff;
	vm0 =	vgt.s32 v2, $0x0  }
0x244: {  	v1 =	vnsel vm0, $0x0, v2  }
0x245: {  	v1 =	vmin.u32 v1, $0x22;
	v2 =	vld [tilespmem:s23+$0x44B0];
	_ =	sdelay $0x3  }
0x246: {  	[tilespmem:s23+$0xC490] =	vst v0  }
0x247: {  	v1 =	vld.idx.msk [tilespmem:v1+s2+$0x0], $0xffff;
	vm0 =	vgt.s32 v2, $0x0  }
0x248: {  	v0 =	vnsel vm0, $0x0, v2  }
0x249: {  	v2 =	vmin.u32 v0, $0x22;
	v0 =	vld [tilespmem:s23+$0x44B8]  }
.Ltmp3:
0x24a: {  	(pc) =	sbr.rel @p0 .LBB2_8-.Ltmp3, $3  }
0x24b: {  	_ =	sdelay $0x1  }
0x24c: {  	s24 =	sadd.s32 $0x80, s24;
	[tilespmem:s23+$0xC4A0] =	vst v1  }
0x24d: {  	s28 =	sand.u32 $0x380, s24;
	s26 =	sand.u32 $0x3800, s25;
	s25 =	sadd.s32 $0x100, s25;
	v1 =	vld.idx.msk [tilespmem:v2+s2+$0x0], $0xffff;
	vm0 =	vgt.s32 v0, $0x0  }
0x24e: {  	s24 =	sor.u32 s28, s26;
	v0 =	vnsel vm0, $0x0, v0  }
0x24f: {  	v2 =	vld [tilespmem:s24+$0x4080];
	v0 =	vmin.u32 v0, $0x22;
	_ =	sdelay $0x3  }
0x250: {  	[tilespmem:s23+$0xC4B0] =	vst v1  }
0x251: {  	vm15 =	vgt.s32 v2, $0x0;
	v0 =	vld.idx.msk [tilespmem:v0+s2+$0x0], $0xffff  }
0x252: {  	v40 =	vld [tilespmem:s24+$0x4090];
	v39 =	vnsel vm15, $0x0, v2  }
0x253: {  	v1 =	vmin.u32 v39, $0x22;
	_ =	sdelay $0x2  }
0x254: {  	[tilespmem:s23+$0xC4B8] =	vst v0  }
0x255: {  	vm4 =	vgt.s32 v40, $0x0;
	v42 =	vld [tilespmem:s24+$0x40A0]  }
0x256: {  	v41 =	vnsel vm4, $0x0, v40;
	v0 =	vld.idx.msk [tilespmem:v1+s2+$0x0], $0xffff  }
0x257: {  	v1 =	vmin.u32 v41, $0x22;
	_ =	sdelay $0x3  }
0x258: {  	v44 =	vld [tilespmem:s24+$0x40B0];
	vm5 =	vgt.s32 v42, $0x0;
	[tilespmem:s24+$0xC080] =	vst v0  }
0x259: {  	v43 =	vnsel vm5, $0x0, v42;
	v0 =	vld.idx.msk [tilespmem:v1+s2+$0x0], $0xffff  }
0x25a: {  	v1 =	vmin.u32 v43, $0x22;
	_ =	sdelay $0x3  }
0x25b: {  	v46 =	vld [tilespmem:s24+$0x40C0];
	vm6 =	vgt.s32 v44, $0x0;
	[tilespmem:s24+$0xC090] =	vst v0  }
0x25c: {  	v45 =	vnsel vm6, $0x0, v44;
	v0 =	vld.idx.msk [tilespmem:v1+s2+$0x0], $0xffff  }
0x25d: {  	v1 =	vmin.u32 v45, $0x22;
	_ =	sdelay $0x3  }
0x25e: {  	v48 =	vld [tilespmem:s24+$0x40D0];
	vm7 =	vgt.s32 v46, $0x0;
	[tilespmem:s24+$0xC0A0] =	vst v0  }
0x25f: {  	v47 =	vnsel vm7, $0x0, v46;
	v0 =	vld.idx.msk [tilespmem:v1+s2+$0x0], $0xffff  }
0x260: {  	v1 =	vmin.u32 v47, $0x22;
	_ =	sdelay $0x3  }
0x261: {  	v50 =	vld [tilespmem:s24+$0x40E0];
	vm8 =	vgt.s32 v48, $0x0;
	[tilespmem:s24+$0xC0B0] =	vst v0  }
0x262: {  	v49 =	vnsel vm8, $0x0, v48;
	v0 =	vld.idx.msk [tilespmem:v1+s2+$0x0], $0xffff  }
0x263: {  	v1 =	vmin.u32 v49, $0x22;
	_ =	sdelay $0x3  }
0x264: {  	v52 =	vld [tilespmem:s24+$0x40F0];
	vm9 =	vgt.s32 v50, $0x0;
	[tilespmem:s24+$0xC0C0] =	vst v0  }
0x265: {  	v51 =	vnsel vm9, $0x0, v50;
	v0 =	vld.idx.msk [tilespmem:v1+s2+$0x0], $0xffff  }
0x266: {  	v1 =	vmin.u32 v51, $0x22;
	_ =	sdelay $0x3  }
0x267: {  	v54 =	vld [tilespmem:s24+$0x4480];
	vm10 =	vgt.s32 v52, $0x0;
	[tilespmem:s24+$0xC0D0] =	vst v0  }
0x268: {  	v53 =	vnsel vm10, $0x0, v52;
	v0 =	vld.idx.msk [tilespmem:v1+s2+$0x0], $0xffff  }
0x269: {  	v1 =	vmin.u32 v53, $0x22;
	_ =	sdelay $0x3  }
0x26a: {  	v56 =	vld [tilespmem:s24+$0x4490];
	vm11 =	vgt.s32 v54, $0x0;
	[tilespmem:s24+$0xC0E0] =	vst v0  }
0x26b: {  	v55 =	vnsel vm11, $0x0, v54;
	v0 =	vld.idx.msk [tilespmem:v1+s2+$0x0], $0xffff  }
0x26c: {  	v1 =	vmin.u32 v55, $0x22;
	_ =	sdelay $0x3  }
0x26d: {  	v58 =	vld [tilespmem:s24+$0x44A0];
	vm12 =	vgt.s32 v56, $0x0;
	[tilespmem:s24+$0xC0F0] =	vst v0  }
0x26e: {  	v57 =	vnsel vm12, $0x0, v56;
	v0 =	vld.idx.msk [tilespmem:v1+s2+$0x0], $0xffff  }
0x26f: {  	v1 =	vmin.u32 v57, $0x22;
	_ =	sdelay $0x3  }
0x270: {  	v60 =	vld [tilespmem:s24+$0x44B0];
	vm13 =	vgt.s32 v58, $0x0;
	[tilespmem:s24+$0xC480] =	vst v0  }
0x271: {  	v59 =	vnsel vm13, $0x0, v58;
	v0 =	vld.idx.msk [tilespmem:v1+s2+$0x0], $0xffff  }
0x272: {  	v1 =	vmin.u32 v59, $0x22;
	_ =	sdelay $0x3  }
0x273: {  	v62 =	vld [tilespmem:s24+$0x44B8];
	vm14 =	vgt.s32 v60, $0x0;
	[tilespmem:s24+$0xC490] =	vst v0  }
0x274: {  	v61 =	vnsel vm14, $0x0, v60;
	v0 =	vld.idx.msk [tilespmem:v1+s2+$0x0], $0xffff  }
0x275: {  	v1 =	vmin.u32 v61, $0x22;
	_ =	sdelay $0x3  }
0x276: {  	vm15 =	vgt.s32 v62, $0x0;
	[tilespmem:s24+$0xC4A0] =	vst v0  }
0x277: {  	v63 =	vnsel vm15, $0x0, v62;
	v0 =	vld.idx.msk [tilespmem:v1+s2+$0x0], $0xffff  }
0x278: {  	v1 =	vmin.u32 v63, $0x22;
	_ =	sdelay $0x3  }
0x279: {  	[tilespmem:s24+$0xC4B0] =	vst v0  }
0x27a: {  	v0 =	vld.idx.msk [tilespmem:v1+s2+$0x0], $0xffff;
	_ =	sdelay $0x4  }
0x27b: {  	s22 =	sadd.s32 $0x1, s22;
	[tilespmem:s24+$0xC4B8] =	vst v0  }
0x27c: {  	[hbm4b:s11+s2] =	stream.linear.scatter [tilespmem:s19], [sflag:$0x4], $0x4000, $0x38;
	[tilespmem:$0x10080] =	vst v63  }
0x27d: {  	p0 =	sne.s32 s22, s12;
	_ =	swait.ge [sflag:s20], $0x4000  }
.Ltmp4:
0x27e: {  	[sflag:s20] =	ssyncset.done $0x0;
	(pc) =	sbr.rel @p0 .LBB2_1-.Ltmp4, $4  }
0x27f: {  	[sflag:s20] =	ssyncadd.s32 $0xFFFFC000  }
0x280: {  	_ =	swait.ge [sflag:s21], $0x4000  }
0x281: {  	[sflag:s21] =	ssyncset.done $0x0  }
0x282: {  	[sflag:s21] =	ssyncadd.s32 $0xFFFFC000  }
0x283: {  	_ =	sfence.sel $0x180000  }
0x284: {  	[bflag:$0x0] =	sbarrier.arrive $0xFFFF  }
0x285: {  	p0 =	sne.s32 s1, $0x0;
	_ =	strace $0x90000047  }
0x286: {  	s0 =	sadd.s32 @!p0 $0x100000, s0;
	[bflag:$0x2] =	sbarrier.arrive $0xFFFF  }
0x287: {  	[sflag:s0] =	ssyncadd.tile.s32 @!p0 $0x1;
	_ =	shalt  }
.Lfunc_end2:
_tile_overlayer_lowered:
.L_overlay_start_2:
0x288: {  	(tag) =	ssettag $0x2  }
0x289: {  	s0 =	rddreg [dreg:$0x0];
	s2 =	stileid.u32  }
0x28a: {  	s1 =	rddreg [dreg:$0x1];
	p0 =	sne.s32 s2, $0x0  }
0x28b: {  	s3 =	rddreg [dreg:$0x2];
	[bflag:$0x3] =	sbarrier.arrive $0xFFFF;
	s2 =	simm.s32 @!p0 $0x1C05  }
0x28c: {  	[timem:s3], [sflag:s2] =	dma.local @!p0 [hbm:s0], s1  }
0x28d: {  	s0 =	simm.s32 @!p0 $0x5  }
0x28e: {  	_ =	swait.ge @!p0 [sflag:s0], s1  }
0x28f: {  	s1 =	ssub.s32 @!p0 $0x0, s1;
	[sflag:s0] =	ssyncset.done @!p0 $0x0  }
0x290: {  	[sflag:s0] =	ssyncadd.s32 @!p0 s1  }
0x291: {  	[bflag:$0x3] =	sbarrier.arrive $0xFFFF  }
0x292: {  	_ =	shalt  }

</sc_bundles>
